<compile_context>
chip_gen: v7x
topology: tpu7x:2x2x1
jax: 0.10.2.dev20260603
libtpu: 0.0.44.dev20260713+nightly
codegen_flags: <defaults>
</compile_context>

<pallas_src>
import functools
import math

import jax
import jax.numpy as jnp
from jax import lax
from jax.experimental import pallas as pl
from jax.experimental.pallas import tpu as pltpu
from jax.experimental.pallas import tpu_sc as plsc

_EPS = 0.001
_L_LO = math.log(_EPS) - math.log1p(-_EPS)
_L_HI = -_L_LO

_IN = 512
_OUT = 128
_NS = 16

_GDN = lax.GatherDimensionNumbers(
    offset_dims=(), collapsed_slice_dims=(0,), start_index_map=(0,))


def _bc(v, j):
    idx = jnp.full((16, 1), j, dtype=jnp.int32)
    return lax.gather(v, idx, _GDN, (1,),
                      mode=lax.GatherScatterMode.PROMISE_IN_BOUNDS)


def _rot(v, s):
    idx = ((lax.iota(jnp.int32, 16) + s) & 15).reshape(16, 1)
    return lax.gather(v, idx, _GDN, (1,),
                      mode=lax.GatherScatterMode.PROMISE_IN_BOUNDS)


def _lsum(v):
    for s in (8, 4, 2, 1):
        v = v + _rot(v, s)
    return v


def _gln_body(n0_h, n1_h, side_h, off0_h, off1_h, cons_h, w0_h, w1_h, out_h,
              side_v, n0_v, n1_v, off_v, cons_v, w0s_v, w1s_v, tmp4_v,
              part_v, acc_v, out_v, shr_h0, shr_h1,
              sem_in, sem_w0a, sem_w0b, sem_w1):
    sid = lax.axis_index("s")

    @pl.when(sid >= 0)
    def _core0():
        t = sid
        b = t >> 2
        r = t & 3

        c1 = pltpu.async_copy(side_h, side_v, sem_in)
        c2 = pltpu.async_copy(n0_h, n0_v, sem_in)
        c3 = pltpu.async_copy(n1_h, n1_v, sem_in)
        c4 = pltpu.async_copy(off0_h, off_v.at[pl.ds(0, 8)], sem_in)
        c5 = pltpu.async_copy(off1_h, off_v.at[pl.ds(8, 8)], sem_in)
        c6 = pltpu.async_copy(cons_h, cons_v, sem_in)
        c1.wait(); c2.wait(); c3.wait(); c4.wait(); c5.wait(); c6.wait()

        def gbody(k, carry):
            ch = k >> 3
            lo = (k & 7) * 16
            sv = side_v[pl.ds(k * 16, 16)]
            out = list(carry)
            for j in range(8):
                out[j] = out[j] + sv * n0_v[ch, j, pl.ds(lo, 16)]
                out[8 + j] = out[8 + j] + sv * n1_v[ch, j, pl.ds(lo, 16)]
            return tuple(out)
        zero = jnp.zeros((16,), jnp.float32)
        accs = lax.fori_loop(0, 32, gbody, (zero,) * 16)

        offv = off_v[...]
        g0 = jnp.int32(0)
        g1 = jnp.int32(0)
        for j in range(8):
            g0 = g0 + jnp.where(_lsum(accs[j])[0] > offv[j],
                                jnp.int32(1 << (7 - j)), jnp.int32(0))
            g1 = g1 + jnp.where(_lsum(accs[8 + j])[0] > offv[8 + j],
                                jnp.int32(1 << (7 - j)), jnp.int32(0))

        row0 = pl.multiple_of(r * 128, 128)
        w1r0 = pl.multiple_of(t * 32, 32)
        cw0a = pltpu.async_copy(
            w0_h.at[pl.ds(row0, 72), g0 >> 3, b, g0 & 7, :],
            w0s_v.at[pl.ds(0, 72), :], sem_w0a)
        cw0b = pltpu.async_copy(
            w0_h.at[pl.ds(row0 + 72, 57), g0 >> 3, b, g0 & 7, :],
            w0s_v.at[pl.ds(72, 57), :], sem_w0b)
        cw1 = pltpu.async_copy(
            w1_h.at[pl.ds(w1r0, 33), g1 >> 3, 0, g1 & 7, :], w1s_v, sem_w1)

        cv = cons_v[...]
        lb0 = cv[0]
        lb1 = cv[1]

        cw0a.wait()
        sb0 = jnp.where(r == 0, lb0, 0.0).astype(jnp.float32)
        p = [sb0 * w0s_v[0, pl.ds(16 * o, 16)] for o in range(8)]

        def mouter(k, carry):
            sv = side_v[pl.ds(r * 128 + k * 16, 16)]
            sv = jnp.minimum(jnp.maximum(sv, _EPS), 1.0 - _EPS)

            def minner(j, inner):
                s = _bc(sv, j)
                l = k * 16 + j + 1
                return tuple(inner[o] + s * w0s_v[l, pl.ds(16 * o, 16)]
                             for o in range(8))
            return lax.fori_loop(0, 16, minner, carry)
        p = lax.fori_loop(0, 4, mouter, tuple(p))
        cw0b.wait()
        p = lax.fori_loop(4, 8, mouter, p)

        for o in range(8):
            part_v[pl.ds(16 * o, 16)] = p[o]
        pltpu.sync_copy(part_v, shr_h0.at[t])
        plsc.subcore_barrier()

        pltpu.sync_copy(shr_h0.at[pl.ds(b * 4, 4), :], tmp4_v)
        c0 = r * 32
        h0a = (tmp4_v[0, pl.ds(c0, 16)] + tmp4_v[1, pl.ds(c0, 16)]
               + tmp4_v[2, pl.ds(c0, 16)] + tmp4_v[3, pl.ds(c0, 16)])
        c1_ = c0 + 16
        h0b = (tmp4_v[0, pl.ds(c1_, 16)] + tmp4_v[1, pl.ds(c1_, 16)]
               + tmp4_v[2, pl.ds(c1_, 16)] + tmp4_v[3, pl.ds(c1_, 16)])
        h0a = jnp.minimum(jnp.maximum(h0a, _L_LO), _L_HI)
        h0b = jnp.minimum(jnp.maximum(h0b, _L_LO), _L_HI)

        cw1.wait()
        sb1 = jnp.where(t == 0, lb1, 0.0).astype(jnp.float32)
        q = [sb1 * w1s_v[0, pl.ds(16 * o, 16)] for o in range(8)]

        def l1body(j, carry):
            s = jnp.where(j < 16, _bc(h0a, j & 15), _bc(h0b, j & 15))
            return tuple(carry[o] + s * w1s_v[j + 1, pl.ds(16 * o, 16)]
                         for o in range(8))
        q = lax.fori_loop(0, 32, l1body, tuple(q))
        for o in range(8):
            part_v[pl.ds(16 * o, 16)] = q[o]
        pltpu.sync_copy(part_v, shr_h1.at[t])
        plsc.subcore_barrier()

        @pl.when(t < 8)
        def _final():
            pltpu.sync_copy(shr_h1, acc_v)
            co = pl.multiple_of(t * 16, 16)

            def rbody(u, z):
                return z + acc_v[u, pl.ds(co, 16)]
            z = lax.fori_loop(1, _NS, rbody, acc_v[0, pl.ds(co, 16)])
            y = 1.0 / (1.0 + jnp.exp(-z))
            y = jnp.minimum(jnp.maximum(y, _EPS), 1.0 - _EPS)
            out_v[...] = y
            pltpu.sync_copy(out_v, out_h.at[pl.ds(co, 16)])


@functools.cache
def _gln_kernel():
    mesh = plsc.VectorSubcoreMesh(core_axis_name="c", subcore_axis_name="s",
                                  num_cores=1, num_subcores=_NS)
    return pl.kernel(
        _gln_body,
        out_type=jax.ShapeDtypeStruct((_OUT,), jnp.float32),
        mesh=mesh,
        compiler_params=pltpu.CompilerParams(use_tc_tiling_on_sc=False, skip_device_barrier=True),
        scratch_types=[
            pltpu.VMEM((_IN,), jnp.float32),
            pltpu.VMEM((4, 8, 128), jnp.float32),
            pltpu.VMEM((4, 8, 128), jnp.float32),
            pltpu.VMEM((16,), jnp.float32),
            pltpu.VMEM((16,), jnp.float32),
            pltpu.VMEM((129, 128), jnp.float32),
            pltpu.VMEM((33, _OUT), jnp.float32),
            pltpu.VMEM((4, _OUT), jnp.float32),
            pltpu.VMEM((_OUT,), jnp.float32),
            pltpu.VMEM((_NS, _OUT), jnp.float32),
            pltpu.VMEM((16,), jnp.float32),
            pltpu.VMEM_SHARED((_NS, _OUT), jnp.float32),
            pltpu.VMEM_SHARED((_NS, _OUT), jnp.float32),
            pltpu.SemaphoreType.DMA,
            pltpu.SemaphoreType.DMA,
            pltpu.SemaphoreType.DMA,
            pltpu.SemaphoreType.DMA,
        ],
    )


def kernel(side_info, offset0, normal0, bias0, W0, offset1, normal1, bias1, W1):
    lb0 = jnp.log(bias0) - jnp.log1p(-bias0)
    lb1 = jnp.log(bias1) - jnp.log1p(-bias1)
    cons = jnp.concatenate(
        [lb0, lb1, jnp.zeros((14,), jnp.float32)], axis=0)
    w0w = W0.reshape(32, 8, 513, 4, 128).transpose(2, 0, 3, 1, 4)
    w1w = W1.reshape(32, 8, 513, 1, 128).transpose(2, 0, 3, 1, 4)
    n0w = normal0.T.reshape(8, 4, 128).transpose(1, 0, 2)
    n1w = normal1.T.reshape(8, 4, 128).transpose(1, 0, 2)
    return _gln_kernel()(n0w, n1w, side_info, offset0, offset1, cons,
                         w0w, w1w)

# --- scband reference (transcript-rebuilt; emitter-appended) ---
"""Pipeline reference for scband-glnmodule-36378372997706 (READ-ONLY COPY).

The authoritative reference and input builder live on the scoring server;
editing this copy changes nothing except your own understanding.
"""

import jax, jax.numpy as jnp
import numpy as np

EPS = 0.001
CDIM = 8
IN_DIM = 512
HID_DIM = 512
OUT_DIM = 128


def _make_layer(k, in_d, out_d):
    k1, k2, k3 = jax.random.split(k, 3)
    offset = jax.random.normal(k1, (CDIM,), dtype=jnp.float32)
    normal = jax.random.normal(k2, (IN_DIM, CDIM), dtype=jnp.float32)
    normal = normal / jnp.linalg.norm(normal, axis=1, keepdims=True)
    bias = EPS + jax.random.uniform(k3, (1,), dtype=jnp.float32) * (1.0 - 2.0 * EPS)
    W = jnp.full((2 ** CDIM, in_d + 1, out_d), 1.0 / (in_d + 1), dtype=jnp.float32)
    return offset, normal, bias, W


def setup_inputs(seed: int = 0) -> dict:
    key = jax.random.key(seed)
    ks = jax.random.split(key, 3)
    side_info = jax.random.uniform(ks[0], (IN_DIM,), dtype=jnp.float32)
    o0, n0, b0, W0 = _make_layer(ks[1], IN_DIM, HID_DIM)
    o1, n1, b1, W1 = _make_layer(ks[2], HID_DIM, OUT_DIM)
    return {"side_info": side_info, "offset0": o0, "normal0": n0, "bias0": b0, "W0": W0,
            "offset1": o1, "normal1": n1, "bias1": b1, "W1": W1}


def _logit(x):
    return jnp.log(x) - jnp.log1p(-x)


def _gated_layer(side_info, x, offset, normal, bias, W):
    side_info = side_info.astype(jnp.float32)
    if x is None:
        input_data = jnp.concatenate([bias, jax.nn.sigmoid(jnp.clip(side_info, EPS, 1.0 - EPS))], axis=0)
    else:
        input_data = jnp.concatenate([bias, x], axis=0)
    context_func = (jnp.matmul(side_info, normal) > offset).astype(jnp.float32)
    powers2 = 2.0 ** jnp.linspace(CDIM - 1, 0, CDIM)
    gating = jnp.dot(context_func, powers2).astype(jnp.int32)
    w = W[gating]  # dynamic gather of one [in+1, out] expert slice
    output_data = jax.nn.sigmoid(jnp.matmul(_logit(input_data), w))
    return jnp.clip(output_data, EPS, 1.0 - EPS)


def reference(side_info, offset0, normal0, bias0, W0, offset1, normal1, bias1, W1):
    x = _gated_layer(side_info, None, offset0, normal0, bias0, W0)
    x = _gated_layer(side_info, x, offset1, normal1, bias1, W1)
    return x

if __name__ == "__main__":
    import jax
    _d = setup_inputs()
    print(jax.jit(kernel)(*tuple(_d.values())))

</pallas_src>

<mosaic_0001>
#map = affine_map<(d0, d1) -> (0, 0, 0)>
#map1 = affine_map<(d0, d1) -> (0)>
#map2 = affine_map<(d0, d1) -> (0, 0, 0, 0, 0)>
module attributes {stable_mosaic.version = 14 : i64} {
  func.func @_gln_body(%arg0: i32, %arg1: i32, %arg2: memref<4x8x128xf32, #tpu.memory_space<hbm>>, %arg3: memref<4x8x128xf32, #tpu.memory_space<hbm>>, %arg4: memref<512xf32, #tpu.memory_space<hbm>>, %arg5: memref<8xf32, #tpu.memory_space<hbm>>, %arg6: memref<8xf32, #tpu.memory_space<hbm>>, %arg7: memref<16xf32, #tpu.memory_space<hbm>>, %arg8: memref<513x32x4x8x128xf32, #tpu.memory_space<hbm>>, %arg9: memref<513x32x1x8x128xf32, #tpu.memory_space<hbm>>, %arg10: memref<128xf32, #tpu.memory_space<hbm>>, %arg11: memref<512xf32, #tpu.memory_space<vmem>>, %arg12: memref<4x8x128xf32, #tpu.memory_space<vmem>>, %arg13: memref<4x8x128xf32, #tpu.memory_space<vmem>>, %arg14: memref<16xf32, #tpu.memory_space<vmem>>, %arg15: memref<16xf32, #tpu.memory_space<vmem>>, %arg16: memref<129x128xf32, #tpu.memory_space<vmem>>, %arg17: memref<33x128xf32, #tpu.memory_space<vmem>>, %arg18: memref<4x128xf32, #tpu.memory_space<vmem>>, %arg19: memref<128xf32, #tpu.memory_space<vmem>>, %arg20: memref<16x128xf32, #tpu.memory_space<vmem>>, %arg21: memref<16xf32, #tpu.memory_space<vmem>>, %arg22: memref<16x128xf32, #tpu.memory_space<vmem_shared>>, %arg23: memref<16x128xf32, #tpu.memory_space<vmem_shared>>, %arg24: memref<!tpu.dma_semaphore, #tpu.memory_space<semaphore_mem>>, %arg25: memref<!tpu.dma_semaphore, #tpu.memory_space<semaphore_mem>>, %arg26: memref<!tpu.dma_semaphore, #tpu.memory_space<semaphore_mem>>, %arg27: memref<!tpu.dma_semaphore, #tpu.memory_space<semaphore_mem>>) attributes {dimension_semantics = [#tpu.dimension_semantics<core_parallel>, #tpu.dimension_semantics<subcore_parallel>], iteration_bounds = array<i64: 1, 16>, scalar_prefetch = 0 : i64, scratch_operands = 17 : i64, tpu.core_type = #tpu.core_type<sc_vector_subcore>, window_params = [{transform_indices = #map}, {transform_indices = #map}, {transform_indices = #map1}, {transform_indices = #map1}, {transform_indices = #map1}, {transform_indices = #map1}, {transform_indices = #map2}, {transform_indices = #map2}, {transform_indices = #map1}]} {
    %ge3A = arith.constant 0 : i32
    %ge3A_0 = arith.cmpi sge, %arg1, %ge3A : i32
    %convert_element_type3A = arith.extui %ge3A_0 : i1 to i32
    %cond3A = arith.constant 0 : i32
    %cond3A_1 = arith.cmpi ne, %convert_element_type3A, %cond3A : i32
    scf.if %cond3A_1 {
      %shift_right_arithmetic3A = arith.constant 2 : i32
      %shift_right_arithmetic3A_2 = arith.shrsi %arg1, %shift_right_arithmetic3A : i32
      %and3A = arith.constant 3 : i32
      %and3A_3 = arith.andi %arg1, %and3A : i32
      tpu.enqueue_dma source(%arg4 : memref<512xf32, #tpu.memory_space<hbm>>) target(%arg11 : memref<512xf32, #tpu.memory_space<vmem>>) target_semaphore(%arg24 : memref<!tpu.dma_semaphore, #tpu.memory_space<semaphore_mem>>)
      tpu.enqueue_dma source(%arg2 : memref<4x8x128xf32, #tpu.memory_space<hbm>>) target(%arg12 : memref<4x8x128xf32, #tpu.memory_space<vmem>>) target_semaphore(%arg24 : memref<!tpu.dma_semaphore, #tpu.memory_space<semaphore_mem>>)
      tpu.enqueue_dma source(%arg3 : memref<4x8x128xf32, #tpu.memory_space<hbm>>) target(%arg13 : memref<4x8x128xf32, #tpu.memory_space<vmem>>) target_semaphore(%arg24 : memref<!tpu.dma_semaphore, #tpu.memory_space<semaphore_mem>>)
      %dma_start3A = arith.constant 0 : i32
      %dma_start3A_4 = tpu.memref_slice %arg14[%dma_start3A] : memref<16xf32, #tpu.memory_space<vmem>> -> memref<8xf32, #tpu.memory_space<vmem>>
      %dma_start3A_5 = arith.constant 0 : i32
      %dma_start3A_6 = tpu.memref_slice %arg14[%dma_start3A_5] : memref<16xf32, #tpu.memory_space<vmem>> -> memref<8xf32, #tpu.memory_space<vmem>>
      tpu.enqueue_dma source(%arg5 : memref<8xf32, #tpu.memory_space<hbm>>) target(%dma_start3A_6 : memref<8xf32, #tpu.memory_space<vmem>>) target_semaphore(%arg24 : memref<!tpu.dma_semaphore, #tpu.memory_space<semaphore_mem>>)
      %dma_start3A_7 = arith.constant 8 : i32
      %dma_start3A_8 = tpu.memref_slice %arg14[%dma_start3A_7] : memref<16xf32, #tpu.memory_space<vmem>> -> memref<8xf32, #tpu.memory_space<vmem>>
      %dma_start3A_9 = arith.constant 8 : i32
      %dma_start3A_10 = tpu.memref_slice %arg14[%dma_start3A_9] : memref<16xf32, #tpu.memory_space<vmem>> -> memref<8xf32, #tpu.memory_space<vmem>>
      tpu.enqueue_dma source(%arg6 : memref<8xf32, #tpu.memory_space<hbm>>) target(%dma_start3A_10 : memref<8xf32, #tpu.memory_space<vmem>>) target_semaphore(%arg24 : memref<!tpu.dma_semaphore, #tpu.memory_space<semaphore_mem>>)
      tpu.enqueue_dma source(%arg7 : memref<16xf32, #tpu.memory_space<hbm>>) target(%arg15 : memref<16xf32, #tpu.memory_space<vmem>>) target_semaphore(%arg24 : memref<!tpu.dma_semaphore, #tpu.memory_space<semaphore_mem>>)
      tpu.wait_dma2 semaphore(%arg24 : memref<!tpu.dma_semaphore, #tpu.memory_space<semaphore_mem>>) src(%arg4 : memref<512xf32, #tpu.memory_space<hbm>>) dst(%arg11 : memref<512xf32, #tpu.memory_space<vmem>>)
      tpu.wait_dma2 semaphore(%arg24 : memref<!tpu.dma_semaphore, #tpu.memory_space<semaphore_mem>>) src(%arg2 : memref<4x8x128xf32, #tpu.memory_space<hbm>>) dst(%arg12 : memref<4x8x128xf32, #tpu.memory_space<vmem>>)
      tpu.wait_dma2 semaphore(%arg24 : memref<!tpu.dma_semaphore, #tpu.memory_space<semaphore_mem>>) src(%arg3 : memref<4x8x128xf32, #tpu.memory_space<hbm>>) dst(%arg13 : memref<4x8x128xf32, #tpu.memory_space<vmem>>)
      %dma_wait3A = arith.constant 0 : i32
      %dma_wait3A_11 = tpu.memref_slice %arg14[%dma_wait3A] : memref<16xf32, #tpu.memory_space<vmem>> -> memref<8xf32, #tpu.memory_space<vmem>>
      %dma_wait3A_12 = arith.constant 0 : i32
      %dma_wait3A_13 = tpu.memref_slice %arg14[%dma_wait3A_12] : memref<16xf32, #tpu.memory_space<vmem>> -> memref<8xf32, #tpu.memory_space<vmem>>
      tpu.wait_dma2 semaphore(%arg24 : memref<!tpu.dma_semaphore, #tpu.memory_space<semaphore_mem>>) src(%arg5 : memref<8xf32, #tpu.memory_space<hbm>>) dst(%dma_wait3A_13 : memref<8xf32, #tpu.memory_space<vmem>>)
      %dma_wait3A_14 = arith.constant 8 : i32
      %dma_wait3A_15 = tpu.memref_slice %arg14[%dma_wait3A_14] : memref<16xf32, #tpu.memory_space<vmem>> -> memref<8xf32, #tpu.memory_space<vmem>>
      %dma_wait3A_16 = arith.constant 8 : i32
      %dma_wait3A_17 = tpu.memref_slice %arg14[%dma_wait3A_16] : memref<16xf32, #tpu.memory_space<vmem>> -> memref<8xf32, #tpu.memory_space<vmem>>
      tpu.wait_dma2 semaphore(%arg24 : memref<!tpu.dma_semaphore, #tpu.memory_space<semaphore_mem>>) src(%arg6 : memref<8xf32, #tpu.memory_space<hbm>>) dst(%dma_wait3A_17 : memref<8xf32, #tpu.memory_space<vmem>>)
      tpu.wait_dma2 semaphore(%arg24 : memref<!tpu.dma_semaphore, #tpu.memory_space<semaphore_mem>>) src(%arg7 : memref<16xf32, #tpu.memory_space<hbm>>) dst(%arg15 : memref<16xf32, #tpu.memory_space<vmem>>)
      %broadcast_in_dim3A = arith.constant 0.000000e+00 : f32
      %broadcast_in_dim3A_18 = vector.broadcast %broadcast_in_dim3A : f32 to vector<16xf32>
      %scan3A = arith.constant 0 : i32
      %scan3A_19 = arith.constant 32 : i32
      %scan3A_20 = arith.addi %scan3A, %scan3A_19 : i32
      %scan3A_21 = arith.constant 1 : i32
      %scan3A_22:16 = scf.for %scan3A_1221 = %scan3A to %scan3A_20 step %scan3A_21 iter_args(%scan3A_1222 = %broadcast_in_dim3A_18, %scan3A_1223 = %broadcast_in_dim3A_18, %scan3A_1224 = %broadcast_in_dim3A_18, %scan3A_1225 = %broadcast_in_dim3A_18, %scan3A_1226 = %broadcast_in_dim3A_18, %scan3A_1227 = %broadcast_in_dim3A_18, %scan3A_1228 = %broadcast_in_dim3A_18, %scan3A_1229 = %broadcast_in_dim3A_18, %scan3A_1230 = %broadcast_in_dim3A_18, %scan3A_1231 = %broadcast_in_dim3A_18, %scan3A_1232 = %broadcast_in_dim3A_18, %scan3A_1233 = %broadcast_in_dim3A_18, %scan3A_1234 = %broadcast_in_dim3A_18, %scan3A_1235 = %broadcast_in_dim3A_18, %scan3A_1236 = %broadcast_in_dim3A_18, %scan3A_1237 = %broadcast_in_dim3A_18) -> (vector<16xf32>, vector<16xf32>, vector<16xf32>, vector<16xf32>, vector<16xf32>, vector<16xf32>, vector<16xf32>, vector<16xf32>, vector<16xf32>, vector<16xf32>, vector<16xf32>, vector<16xf32>, vector<16xf32>, vector<16xf32>, vector<16xf32>, vector<16xf32>)  : i32 {
        %shift_right_arithmetic3A_1238 = arith.constant 3 : i32
        %shift_right_arithmetic3A_1239 = arith.shrsi %scan3A_1221, %shift_right_arithmetic3A_1238 : i32
        %and3A_1240 = arith.constant 7 : i32
        %and3A_1241 = arith.andi %scan3A_1221, %and3A_1240 : i32
        %mul3A_1242 = arith.constant 16 : i32
        %mul3A_1243 = arith.muli %and3A_1241, %mul3A_1242 : i32
        %mul3A_1244 = arith.constant 16 : i32
        %mul3A_1245 = arith.muli %scan3A_1221, %mul3A_1244 : i32
        %get3A_1246 = arith.index_cast %mul3A_1245 : i32 to index
        %get3A_1247 = tpu.vector_load %arg11[%get3A_1246] {strides = array<i32>} : memref<512xf32, #tpu.memory_space<vmem>>, vector<16xf32>,
        %get3A_1248 = vector.shape_cast %get3A_1247 : vector<16xf32> to vector<16xf32>
        %get3A_1249 = arith.constant 0 : i32
        %get3A_1250 = arith.index_cast %shift_right_arithmetic3A_1239 : i32 to index
        %get3A_1251 = arith.index_cast %get3A_1249 : i32 to index
        %get3A_1252 = arith.index_cast %mul3A_1243 : i32 to index
        %get3A_1253 = tpu.vector_load %arg12[%get3A_1250, %get3A_1251, %get3A_1252] {strides = array<i32>} : memref<4x8x128xf32, #tpu.memory_space<vmem>>, vector<1x1x16xf32>,
        %get3A_1254 = vector.shape_cast %get3A_1253 : vector<1x1x16xf32> to vector<16xf32>
        %mul3A_1255 = arith.mulf %get3A_1248, %get3A_1254 : vector<16xf32>
        %add3A_1256 = arith.addf %scan3A_1222, %mul3A_1255 : vector<16xf32>
        %get3A_1257 = arith.constant 0 : i32
        %get3A_1258 = arith.index_cast %shift_right_arithmetic3A_1239 : i32 to index
        %get3A_1259 = arith.index_cast %get3A_1257 : i32 to index
        %get3A_1260 = arith.index_cast %mul3A_1243 : i32 to index
        %get3A_1261 = tpu.vector_load %arg13[%get3A_1258, %get3A_1259, %get3A_1260] {strides = array<i32>} : memref<4x8x128xf32, #tpu.memory_space<vmem>>, vector<1x1x16xf32>,
        %get3A_1262 = vector.shape_cast %get3A_1261 : vector<1x1x16xf32> to vector<16xf32>
        %mul3A_1263 = arith.mulf %get3A_1248, %get3A_1262 : vector<16xf32>
        %add3A_1264 = arith.addf %scan3A_1230, %mul3A_1263 : vector<16xf32>
        %get3A_1265 = arith.constant 1 : i32
        %get3A_1266 = arith.index_cast %shift_right_arithmetic3A_1239 : i32 to index
        %get3A_1267 = arith.index_cast %get3A_1265 : i32 to index
        %get3A_1268 = arith.index_cast %mul3A_1243 : i32 to index
        %get3A_1269 = tpu.vector_load %arg12[%get3A_1266, %get3A_1267, %get3A_1268] {strides = array<i32>} : memref<4x8x128xf32, #tpu.memory_space<vmem>>, vector<1x1x16xf32>,
        %get3A_1270 = vector.shape_cast %get3A_1269 : vector<1x1x16xf32> to vector<16xf32>
        %mul3A_1271 = arith.mulf %get3A_1248, %get3A_1270 : vector<16xf32>
        %add3A_1272 = arith.addf %scan3A_1223, %mul3A_1271 : vector<16xf32>
        %get3A_1273 = arith.constant 1 : i32
        %get3A_1274 = arith.index_cast %shift_right_arithmetic3A_1239 : i32 to index
        %get3A_1275 = arith.index_cast %get3A_1273 : i32 to index
        %get3A_1276 = arith.index_cast %mul3A_1243 : i32 to index
        %get3A_1277 = tpu.vector_load %arg13[%get3A_1274, %get3A_1275, %get3A_1276] {strides = array<i32>} : memref<4x8x128xf32, #tpu.memory_space<vmem>>, vector<1x1x16xf32>,
        %get3A_1278 = vector.shape_cast %get3A_1277 : vector<1x1x16xf32> to vector<16xf32>
        %mul3A_1279 = arith.mulf %get3A_1248, %get3A_1278 : vector<16xf32>
        %add3A_1280 = arith.addf %scan3A_1231, %mul3A_1279 : vector<16xf32>
        %get3A_1281 = arith.constant 2 : i32
        %get3A_1282 = arith.index_cast %shift_right_arithmetic3A_1239 : i32 to index
        %get3A_1283 = arith.index_cast %get3A_1281 : i32 to index
        %get3A_1284 = arith.index_cast %mul3A_1243 : i32 to index
        %get3A_1285 = tpu.vector_load %arg12[%get3A_1282, %get3A_1283, %get3A_1284] {strides = array<i32>} : memref<4x8x128xf32, #tpu.memory_space<vmem>>, vector<1x1x16xf32>,
        %get3A_1286 = vector.shape_cast %get3A_1285 : vector<1x1x16xf32> to vector<16xf32>
        %mul3A_1287 = arith.mulf %get3A_1248, %get3A_1286 : vector<16xf32>
        %add3A_1288 = arith.addf %scan3A_1224, %mul3A_1287 : vector<16xf32>
        %get3A_1289 = arith.constant 2 : i32
        %get3A_1290 = arith.index_cast %shift_right_arithmetic3A_1239 : i32 to index
        %get3A_1291 = arith.index_cast %get3A_1289 : i32 to index
        %get3A_1292 = arith.index_cast %mul3A_1243 : i32 to index
        %get3A_1293 = tpu.vector_load %arg13[%get3A_1290, %get3A_1291, %get3A_1292] {strides = array<i32>} : memref<4x8x128xf32, #tpu.memory_space<vmem>>, vector<1x1x16xf32>,
        %get3A_1294 = vector.shape_cast %get3A_1293 : vector<1x1x16xf32> to vector<16xf32>
        %mul3A_1295 = arith.mulf %get3A_1248, %get3A_1294 : vector<16xf32>
        %add3A_1296 = arith.addf %scan3A_1232, %mul3A_1295 : vector<16xf32>
        %get3A_1297 = arith.constant 3 : i32
        %get3A_1298 = arith.index_cast %shift_right_arithmetic3A_1239 : i32 to index
        %get3A_1299 = arith.index_cast %get3A_1297 : i32 to index
        %get3A_1300 = arith.index_cast %mul3A_1243 : i32 to index
        %get3A_1301 = tpu.vector_load %arg12[%get3A_1298, %get3A_1299, %get3A_1300] {strides = array<i32>} : memref<4x8x128xf32, #tpu.memory_space<vmem>>, vector<1x1x16xf32>,
        %get3A_1302 = vector.shape_cast %get3A_1301 : vector<1x1x16xf32> to vector<16xf32>
        %mul3A_1303 = arith.mulf %get3A_1248, %get3A_1302 : vector<16xf32>
        %add3A_1304 = arith.addf %scan3A_1225, %mul3A_1303 : vector<16xf32>
        %get3A_1305 = arith.constant 3 : i32
        %get3A_1306 = arith.index_cast %shift_right_arithmetic3A_1239 : i32 to index
        %get3A_1307 = arith.index_cast %get3A_1305 : i32 to index
        %get3A_1308 = arith.index_cast %mul3A_1243 : i32 to index
        %get3A_1309 = tpu.vector_load %arg13[%get3A_1306, %get3A_1307, %get3A_1308] {strides = array<i32>} : memref<4x8x128xf32, #tpu.memory_space<vmem>>, vector<1x1x16xf32>,
        %get3A_1310 = vector.shape_cast %get3A_1309 : vector<1x1x16xf32> to vector<16xf32>
        %mul3A_1311 = arith.mulf %get3A_1248, %get3A_1310 : vector<16xf32>
        %add3A_1312 = arith.addf %scan3A_1233, %mul3A_1311 : vector<16xf32>
        %get3A_1313 = arith.constant 4 : i32
        %get3A_1314 = arith.index_cast %shift_right_arithmetic3A_1239 : i32 to index
        %get3A_1315 = arith.index_cast %get3A_1313 : i32 to index
        %get3A_1316 = arith.index_cast %mul3A_1243 : i32 to index
        %get3A_1317 = tpu.vector_load %arg12[%get3A_1314, %get3A_1315, %get3A_1316] {strides = array<i32>} : memref<4x8x128xf32, #tpu.memory_space<vmem>>, vector<1x1x16xf32>,
        %get3A_1318 = vector.shape_cast %get3A_1317 : vector<1x1x16xf32> to vector<16xf32>
        %mul3A_1319 = arith.mulf %get3A_1248, %get3A_1318 : vector<16xf32>
        %add3A_1320 = arith.addf %scan3A_1226, %mul3A_1319 : vector<16xf32>
        %get3A_1321 = arith.constant 4 : i32
        %get3A_1322 = arith.index_cast %shift_right_arithmetic3A_1239 : i32 to index
        %get3A_1323 = arith.index_cast %get3A_1321 : i32 to index
        %get3A_1324 = arith.index_cast %mul3A_1243 : i32 to index
        %get3A_1325 = tpu.vector_load %arg13[%get3A_1322, %get3A_1323, %get3A_1324] {strides = array<i32>} : memref<4x8x128xf32, #tpu.memory_space<vmem>>, vector<1x1x16xf32>,
        %get3A_1326 = vector.shape_cast %get3A_1325 : vector<1x1x16xf32> to vector<16xf32>
        %mul3A_1327 = arith.mulf %get3A_1248, %get3A_1326 : vector<16xf32>
        %add3A_1328 = arith.addf %scan3A_1234, %mul3A_1327 : vector<16xf32>
        %get3A_1329 = arith.constant 5 : i32
        %get3A_1330 = arith.index_cast %shift_right_arithmetic3A_1239 : i32 to index
        %get3A_1331 = arith.index_cast %get3A_1329 : i32 to index
        %get3A_1332 = arith.index_cast %mul3A_1243 : i32 to index
        %get3A_1333 = tpu.vector_load %arg12[%get3A_1330, %get3A_1331, %get3A_1332] {strides = array<i32>} : memref<4x8x128xf32, #tpu.memory_space<vmem>>, vector<1x1x16xf32>,
        %get3A_1334 = vector.shape_cast %get3A_1333 : vector<1x1x16xf32> to vector<16xf32>
        %mul3A_1335 = arith.mulf %get3A_1248, %get3A_1334 : vector<16xf32>
        %add3A_1336 = arith.addf %scan3A_1227, %mul3A_1335 : vector<16xf32>
        %get3A_1337 = arith.constant 5 : i32
        %get3A_1338 = arith.index_cast %shift_right_arithmetic3A_1239 : i32 to index
        %get3A_1339 = arith.index_cast %get3A_1337 : i32 to index
        %get3A_1340 = arith.index_cast %mul3A_1243 : i32 to index
        %get3A_1341 = tpu.vector_load %arg13[%get3A_1338, %get3A_1339, %get3A_1340] {strides = array<i32>} : memref<4x8x128xf32, #tpu.memory_space<vmem>>, vector<1x1x16xf32>,
        %get3A_1342 = vector.shape_cast %get3A_1341 : vector<1x1x16xf32> to vector<16xf32>
        %mul3A_1343 = arith.mulf %get3A_1248, %get3A_1342 : vector<16xf32>
        %add3A_1344 = arith.addf %scan3A_1235, %mul3A_1343 : vector<16xf32>
        %get3A_1345 = arith.constant 6 : i32
        %get3A_1346 = arith.index_cast %shift_right_arithmetic3A_1239 : i32 to index
        %get3A_1347 = arith.index_cast %get3A_1345 : i32 to index
        %get3A_1348 = arith.index_cast %mul3A_1243 : i32 to index
        %get3A_1349 = tpu.vector_load %arg12[%get3A_1346, %get3A_1347, %get3A_1348] {strides = array<i32>} : memref<4x8x128xf32, #tpu.memory_space<vmem>>, vector<1x1x16xf32>,
        %get3A_1350 = vector.shape_cast %get3A_1349 : vector<1x1x16xf32> to vector<16xf32>
        %mul3A_1351 = arith.mulf %get3A_1248, %get3A_1350 : vector<16xf32>
        %add3A_1352 = arith.addf %scan3A_1228, %mul3A_1351 : vector<16xf32>
        %get3A_1353 = arith.constant 6 : i32
        %get3A_1354 = arith.index_cast %shift_right_arithmetic3A_1239 : i32 to index
        %get3A_1355 = arith.index_cast %get3A_1353 : i32 to index
        %get3A_1356 = arith.index_cast %mul3A_1243 : i32 to index
        %get3A_1357 = tpu.vector_load %arg13[%get3A_1354, %get3A_1355, %get3A_1356] {strides = array<i32>} : memref<4x8x128xf32, #tpu.memory_space<vmem>>, vector<1x1x16xf32>,
        %get3A_1358 = vector.shape_cast %get3A_1357 : vector<1x1x16xf32> to vector<16xf32>
        %mul3A_1359 = arith.mulf %get3A_1248, %get3A_1358 : vector<16xf32>
        %add3A_1360 = arith.addf %scan3A_1236, %mul3A_1359 : vector<16xf32>
        %get3A_1361 = arith.constant 7 : i32
        %get3A_1362 = arith.index_cast %shift_right_arithmetic3A_1239 : i32 to index
        %get3A_1363 = arith.index_cast %get3A_1361 : i32 to index
        %get3A_1364 = arith.index_cast %mul3A_1243 : i32 to index
        %get3A_1365 = tpu.vector_load %arg12[%get3A_1362, %get3A_1363, %get3A_1364] {strides = array<i32>} : memref<4x8x128xf32, #tpu.memory_space<vmem>>, vector<1x1x16xf32>,
        %get3A_1366 = vector.shape_cast %get3A_1365 : vector<1x1x16xf32> to vector<16xf32>
        %mul3A_1367 = arith.mulf %get3A_1248, %get3A_1366 : vector<16xf32>
        %add3A_1368 = arith.addf %scan3A_1229, %mul3A_1367 : vector<16xf32>
        %get3A_1369 = arith.constant 7 : i32
        %get3A_1370 = arith.index_cast %shift_right_arithmetic3A_1239 : i32 to index
        %get3A_1371 = arith.index_cast %get3A_1369 : i32 to index
        %get3A_1372 = arith.index_cast %mul3A_1243 : i32 to index
        %get3A_1373 = tpu.vector_load %arg13[%get3A_1370, %get3A_1371, %get3A_1372] {strides = array<i32>} : memref<4x8x128xf32, #tpu.memory_space<vmem>>, vector<1x1x16xf32>,
        %get3A_1374 = vector.shape_cast %get3A_1373 : vector<1x1x16xf32> to vector<16xf32>
        %mul3A_1375 = arith.mulf %get3A_1248, %get3A_1374 : vector<16xf32>
        %add3A_1376 = arith.addf %scan3A_1237, %mul3A_1375 : vector<16xf32>
        scf.yield %add3A_1256, %add3A_1272, %add3A_1288, %add3A_1304, %add3A_1320, %add3A_1336, %add3A_1352, %add3A_1368, %add3A_1264, %add3A_1280, %add3A_1296, %add3A_1312, %add3A_1328, %add3A_1344, %add3A_1360, %add3A_1376 : vector<16xf32>, vector<16xf32>, vector<16xf32>, vector<16xf32>, vector<16xf32>, vector<16xf32>, vector<16xf32>, vector<16xf32>, vector<16xf32>, vector<16xf32>, vector<16xf32>, vector<16xf32>, vector<16xf32>, vector<16xf32>, vector<16xf32>, vector<16xf32>
      }
      %scan3A_23 = arith.constant 32 : i32
      %get3A = arith.constant 0 : index
      %get3A_24 = tpu.vector_load %arg14[%get3A] {strides = array<i32>} : memref<16xf32, #tpu.memory_space<vmem>>, vector<16xf32>,
      %get3A_25 = vector.shape_cast %get3A_24 : vector<16xf32> to vector<16xf32>
      %iota3A = tpu.iota {dimensions = array<i32: 0>} : vector<16xi32>
      %add3A = arith.constant 8 : i32
      %add3A_26 = vector.broadcast %add3A : i32 to vector<16xi32>
      %add3A_27 = arith.addi %iota3A, %add3A_26 : vector<16xi32>
      %and3A_28 = arith.constant 15 : i32
      %and3A_29 = vector.broadcast %and3A_28 : i32 to vector<16xi32>
      %and3A_30 = arith.andi %add3A_27, %and3A_29 : vector<16xi32>
      %reshape3A = vector.shape_cast %and3A_30 : vector<16xi32> to vector<16x1xi32>
      %gather3A = vector.shape_cast %reshape3A : vector<16x1xi32> to vector<16xi32>
      %gather3A_31 = tpu.dynamic_gather %scan3A_22#0[%gather3A] in [0] : vector<16xf32>, vector<16xi32> -> vector<16xf32>
      %add3A_32 = arith.addf %scan3A_22#0, %gather3A_31 : vector<16xf32>
      %iota3A_33 = tpu.iota {dimensions = array<i32: 0>} : vector<16xi32>
      %add3A_34 = arith.constant 4 : i32
      %add3A_35 = vector.broadcast %add3A_34 : i32 to vector<16xi32>
      %add3A_36 = arith.addi %iota3A_33, %add3A_35 : vector<16xi32>
      %and3A_37 = arith.constant 15 : i32
      %and3A_38 = vector.broadcast %and3A_37 : i32 to vector<16xi32>
      %and3A_39 = arith.andi %add3A_36, %and3A_38 : vector<16xi32>
      %reshape3A_40 = vector.shape_cast %and3A_39 : vector<16xi32> to vector<16x1xi32>
      %gather3A_41 = vector.shape_cast %reshape3A_40 : vector<16x1xi32> to vector<16xi32>
      %gather3A_42 = tpu.dynamic_gather %add3A_32[%gather3A_41] in [0] : vector<16xf32>, vector<16xi32> -> vector<16xf32>
      %add3A_43 = arith.addf %add3A_32, %gather3A_42 : vector<16xf32>
      %iota3A_44 = tpu.iota {dimensions = array<i32: 0>} : vector<16xi32>
      %add3A_45 = arith.constant 2 : i32
      %add3A_46 = vector.broadcast %add3A_45 : i32 to vector<16xi32>
      %add3A_47 = arith.addi %iota3A_44, %add3A_46 : vector<16xi32>
      %and3A_48 = arith.constant 15 : i32
      %and3A_49 = vector.broadcast %and3A_48 : i32 to vector<16xi32>
      %and3A_50 = arith.andi %add3A_47, %and3A_49 : vector<16xi32>
      %reshape3A_51 = vector.shape_cast %and3A_50 : vector<16xi32> to vector<16x1xi32>
      %gather3A_52 = vector.shape_cast %reshape3A_51 : vector<16x1xi32> to vector<16xi32>
      %gather3A_53 = tpu.dynamic_gather %add3A_43[%gather3A_52] in [0] : vector<16xf32>, vector<16xi32> -> vector<16xf32>
      %add3A_54 = arith.addf %add3A_43, %gather3A_53 : vector<16xf32>
      %iota3A_55 = tpu.iota {dimensions = array<i32: 0>} : vector<16xi32>
      %add3A_56 = arith.constant 1 : i32
      %add3A_57 = vector.broadcast %add3A_56 : i32 to vector<16xi32>
      %add3A_58 = arith.addi %iota3A_55, %add3A_57 : vector<16xi32>
      %and3A_59 = arith.constant 15 : i32
      %and3A_60 = vector.broadcast %and3A_59 : i32 to vector<16xi32>
      %and3A_61 = arith.andi %add3A_58, %and3A_60 : vector<16xi32>
      %reshape3A_62 = vector.shape_cast %and3A_61 : vector<16xi32> to vector<16x1xi32>
      %gather3A_63 = vector.shape_cast %reshape3A_62 : vector<16x1xi32> to vector<16xi32>
      %gather3A_64 = tpu.dynamic_gather %add3A_54[%gather3A_63] in [0] : vector<16xf32>, vector<16xi32> -> vector<16xf32>
      %add3A_65 = arith.addf %add3A_54, %gather3A_64 : vector<16xf32>
      %slice3A = vector.extract_strided_slice %add3A_65 {offsets = [0], sizes = [1], strides = [1]} : vector<16xf32> to vector<1xf32>
      %squeeze3A = vector.extract %slice3A[0] : f32 from vector<1xf32>
      %slice3A_66 = vector.extract_strided_slice %get3A_25 {offsets = [0], sizes = [1], strides = [1]} : vector<16xf32> to vector<1xf32>
      %squeeze3A_67 = vector.extract %slice3A_66[0] : f32 from vector<1xf32>
      %gt3A = arith.cmpf ogt, %squeeze3A, %squeeze3A_67 : f32
      %jit3A = arith.constant 128 : i32
      %jit3A_68 = arith.constant 0 : i32
      %select_n3A = arith.select %gt3A, %jit3A, %jit3A_68 : i32
      %add3A_69 = arith.constant 0 : i32
      %add3A_70 = arith.addi %add3A_69, %select_n3A : i32
      %iota3A_71 = tpu.iota {dimensions = array<i32: 0>} : vector<16xi32>
      %add3A_72 = arith.constant 8 : i32
      %add3A_73 = vector.broadcast %add3A_72 : i32 to vector<16xi32>
      %add3A_74 = arith.addi %iota3A_71, %add3A_73 : vector<16xi32>
      %and3A_75 = arith.constant 15 : i32
      %and3A_76 = vector.broadcast %and3A_75 : i32 to vector<16xi32>
      %and3A_77 = arith.andi %add3A_74, %and3A_76 : vector<16xi32>
      %reshape3A_78 = vector.shape_cast %and3A_77 : vector<16xi32> to vector<16x1xi32>
      %gather3A_79 = vector.shape_cast %reshape3A_78 : vector<16x1xi32> to vector<16xi32>
      %gather3A_80 = tpu.dynamic_gather %scan3A_22#8[%gather3A_79] in [0] : vector<16xf32>, vector<16xi32> -> vector<16xf32>
      %add3A_81 = arith.addf %scan3A_22#8, %gather3A_80 : vector<16xf32>
      %iota3A_82 = tpu.iota {dimensions = array<i32: 0>} : vector<16xi32>
      %add3A_83 = arith.constant 4 : i32
      %add3A_84 = vector.broadcast %add3A_83 : i32 to vector<16xi32>
      %add3A_85 = arith.addi %iota3A_82, %add3A_84 : vector<16xi32>
      %and3A_86 = arith.constant 15 : i32
      %and3A_87 = vector.broadcast %and3A_86 : i32 to vector<16xi32>
      %and3A_88 = arith.andi %add3A_85, %and3A_87 : vector<16xi32>
      %reshape3A_89 = vector.shape_cast %and3A_88 : vector<16xi32> to vector<16x1xi32>
      %gather3A_90 = vector.shape_cast %reshape3A_89 : vector<16x1xi32> to vector<16xi32>
      %gather3A_91 = tpu.dynamic_gather %add3A_81[%gather3A_90] in [0] : vector<16xf32>, vector<16xi32> -> vector<16xf32>
      %add3A_92 = arith.addf %add3A_81, %gather3A_91 : vector<16xf32>
      %iota3A_93 = tpu.iota {dimensions = array<i32: 0>} : vector<16xi32>
      %add3A_94 = arith.constant 2 : i32
      %add3A_95 = vector.broadcast %add3A_94 : i32 to vector<16xi32>
      %add3A_96 = arith.addi %iota3A_93, %add3A_95 : vector<16xi32>
      %and3A_97 = arith.constant 15 : i32
      %and3A_98 = vector.broadcast %and3A_97 : i32 to vector<16xi32>
      %and3A_99 = arith.andi %add3A_96, %and3A_98 : vector<16xi32>
      %reshape3A_100 = vector.shape_cast %and3A_99 : vector<16xi32> to vector<16x1xi32>
      %gather3A_101 = vector.shape_cast %reshape3A_100 : vector<16x1xi32> to vector<16xi32>
      %gather3A_102 = tpu.dynamic_gather %add3A_92[%gather3A_101] in [0] : vector<16xf32>, vector<16xi32> -> vector<16xf32>
      %add3A_103 = arith.addf %add3A_92, %gather3A_102 : vector<16xf32>
      %iota3A_104 = tpu.iota {dimensions = array<i32: 0>} : vector<16xi32>
      %add3A_105 = arith.constant 1 : i32
      %add3A_106 = vector.broadcast %add3A_105 : i32 to vector<16xi32>
      %add3A_107 = arith.addi %iota3A_104, %add3A_106 : vector<16xi32>
      %and3A_108 = arith.constant 15 : i32
      %and3A_109 = vector.broadcast %and3A_108 : i32 to vector<16xi32>
      %and3A_110 = arith.andi %add3A_107, %and3A_109 : vector<16xi32>
      %reshape3A_111 = vector.shape_cast %and3A_110 : vector<16xi32> to vector<16x1xi32>
      %gather3A_112 = vector.shape_cast %reshape3A_111 : vector<16x1xi32> to vector<16xi32>
      %gather3A_113 = tpu.dynamic_gather %add3A_103[%gather3A_112] in [0] : vector<16xf32>, vector<16xi32> -> vector<16xf32>
      %add3A_114 = arith.addf %add3A_103, %gather3A_113 : vector<16xf32>
      %slice3A_115 = vector.extract_strided_slice %add3A_114 {offsets = [0], sizes = [1], strides = [1]} : vector<16xf32> to vector<1xf32>
      %squeeze3A_116 = vector.extract %slice3A_115[0] : f32 from vector<1xf32>
      %slice3A_117 = vector.extract_strided_slice %get3A_25 {offsets = [8], sizes = [1], strides = [1]} : vector<16xf32> to vector<1xf32>
      %squeeze3A_118 = vector.extract %slice3A_117[0] : f32 from vector<1xf32>
      %gt3A_119 = arith.cmpf ogt, %squeeze3A_116, %squeeze3A_118 : f32
      %jit3A_120 = arith.constant 128 : i32
      %jit3A_121 = arith.constant 0 : i32
      %select_n3A_122 = arith.select %gt3A_119, %jit3A_120, %jit3A_121 : i32
      %add3A_123 = arith.constant 0 : i32
      %add3A_124 = arith.addi %add3A_123, %select_n3A_122 : i32
      %iota3A_125 = tpu.iota {dimensions = array<i32: 0>} : vector<16xi32>
      %add3A_126 = arith.constant 8 : i32
      %add3A_127 = vector.broadcast %add3A_126 : i32 to vector<16xi32>
      %add3A_128 = arith.addi %iota3A_125, %add3A_127 : vector<16xi32>
      %and3A_129 = arith.constant 15 : i32
      %and3A_130 = vector.broadcast %and3A_129 : i32 to vector<16xi32>
      %and3A_131 = arith.andi %add3A_128, %and3A_130 : vector<16xi32>
      %reshape3A_132 = vector.shape_cast %and3A_131 : vector<16xi32> to vector<16x1xi32>
      %gather3A_133 = vector.shape_cast %reshape3A_132 : vector<16x1xi32> to vector<16xi32>
      %gather3A_134 = tpu.dynamic_gather %scan3A_22#1[%gather3A_133] in [0] : vector<16xf32>, vector<16xi32> -> vector<16xf32>
      %add3A_135 = arith.addf %scan3A_22#1, %gather3A_134 : vector<16xf32>
      %iota3A_136 = tpu.iota {dimensions = array<i32: 0>} : vector<16xi32>
      %add3A_137 = arith.constant 4 : i32
      %add3A_138 = vector.broadcast %add3A_137 : i32 to vector<16xi32>
      %add3A_139 = arith.addi %iota3A_136, %add3A_138 : vector<16xi32>
      %and3A_140 = arith.constant 15 : i32
      %and3A_141 = vector.broadcast %and3A_140 : i32 to vector<16xi32>
      %and3A_142 = arith.andi %add3A_139, %and3A_141 : vector<16xi32>
      %reshape3A_143 = vector.shape_cast %and3A_142 : vector<16xi32> to vector<16x1xi32>
      %gather3A_144 = vector.shape_cast %reshape3A_143 : vector<16x1xi32> to vector<16xi32>
      %gather3A_145 = tpu.dynamic_gather %add3A_135[%gather3A_144] in [0] : vector<16xf32>, vector<16xi32> -> vector<16xf32>
      %add3A_146 = arith.addf %add3A_135, %gather3A_145 : vector<16xf32>
      %iota3A_147 = tpu.iota {dimensions = array<i32: 0>} : vector<16xi32>
      %add3A_148 = arith.constant 2 : i32
      %add3A_149 = vector.broadcast %add3A_148 : i32 to vector<16xi32>
      %add3A_150 = arith.addi %iota3A_147, %add3A_149 : vector<16xi32>
      %and3A_151 = arith.constant 15 : i32
      %and3A_152 = vector.broadcast %and3A_151 : i32 to vector<16xi32>
      %and3A_153 = arith.andi %add3A_150, %and3A_152 : vector<16xi32>
      %reshape3A_154 = vector.shape_cast %and3A_153 : vector<16xi32> to vector<16x1xi32>
      %gather3A_155 = vector.shape_cast %reshape3A_154 : vector<16x1xi32> to vector<16xi32>
      %gather3A_156 = tpu.dynamic_gather %add3A_146[%gather3A_155] in [0] : vector<16xf32>, vector<16xi32> -> vector<16xf32>
      %add3A_157 = arith.addf %add3A_146, %gather3A_156 : vector<16xf32>
      %iota3A_158 = tpu.iota {dimensions = array<i32: 0>} : vector<16xi32>
      %add3A_159 = arith.constant 1 : i32
      %add3A_160 = vector.broadcast %add3A_159 : i32 to vector<16xi32>
      %add3A_161 = arith.addi %iota3A_158, %add3A_160 : vector<16xi32>
      %and3A_162 = arith.constant 15 : i32
      %and3A_163 = vector.broadcast %and3A_162 : i32 to vector<16xi32>
      %and3A_164 = arith.andi %add3A_161, %and3A_163 : vector<16xi32>
      %reshape3A_165 = vector.shape_cast %and3A_164 : vector<16xi32> to vector<16x1xi32>
      %gather3A_166 = vector.shape_cast %reshape3A_165 : vector<16x1xi32> to vector<16xi32>
      %gather3A_167 = tpu.dynamic_gather %add3A_157[%gather3A_166] in [0] : vector<16xf32>, vector<16xi32> -> vector<16xf32>
      %add3A_168 = arith.addf %add3A_157, %gather3A_167 : vector<16xf32>
      %slice3A_169 = vector.extract_strided_slice %add3A_168 {offsets = [0], sizes = [1], strides = [1]} : vector<16xf32> to vector<1xf32>
      %squeeze3A_170 = vector.extract %slice3A_169[0] : f32 from vector<1xf32>
      %slice3A_171 = vector.extract_strided_slice %get3A_25 {offsets = [1], sizes = [1], strides = [1]} : vector<16xf32> to vector<1xf32>
      %squeeze3A_172 = vector.extract %slice3A_171[0] : f32 from vector<1xf32>
      %gt3A_173 = arith.cmpf ogt, %squeeze3A_170, %squeeze3A_172 : f32
      %jit3A_174 = arith.constant 64 : i32
      %jit3A_175 = arith.constant 0 : i32
      %select_n3A_176 = arith.select %gt3A_173, %jit3A_174, %jit3A_175 : i32
      %add3A_177 = arith.addi %add3A_70, %select_n3A_176 : i32
      %iota3A_178 = tpu.iota {dimensions = array<i32: 0>} : vector<16xi32>
      %add3A_179 = arith.constant 8 : i32
      %add3A_180 = vector.broadcast %add3A_179 : i32 to vector<16xi32>
      %add3A_181 = arith.addi %iota3A_178, %add3A_180 : vector<16xi32>
      %and3A_182 = arith.constant 15 : i32
      %and3A_183 = vector.broadcast %and3A_182 : i32 to vector<16xi32>
      %and3A_184 = arith.andi %add3A_181, %and3A_183 : vector<16xi32>
      %reshape3A_185 = vector.shape_cast %and3A_184 : vector<16xi32> to vector<16x1xi32>
      %gather3A_186 = vector.shape_cast %reshape3A_185 : vector<16x1xi32> to vector<16xi32>
      %gather3A_187 = tpu.dynamic_gather %scan3A_22#9[%gather3A_186] in [0] : vector<16xf32>, vector<16xi32> -> vector<16xf32>
      %add3A_188 = arith.addf %scan3A_22#9, %gather3A_187 : vector<16xf32>
      %iota3A_189 = tpu.iota {dimensions = array<i32: 0>} : vector<16xi32>
      %add3A_190 = arith.constant 4 : i32
      %add3A_191 = vector.broadcast %add3A_190 : i32 to vector<16xi32>
      %add3A_192 = arith.addi %iota3A_189, %add3A_191 : vector<16xi32>
      %and3A_193 = arith.constant 15 : i32
      %and3A_194 = vector.broadcast %and3A_193 : i32 to vector<16xi32>
      %and3A_195 = arith.andi %add3A_192, %and3A_194 : vector<16xi32>
      %reshape3A_196 = vector.shape_cast %and3A_195 : vector<16xi32> to vector<16x1xi32>
      %gather3A_197 = vector.shape_cast %reshape3A_196 : vector<16x1xi32> to vector<16xi32>
      %gather3A_198 = tpu.dynamic_gather %add3A_188[%gather3A_197] in [0] : vector<16xf32>, vector<16xi32> -> vector<16xf32>
      %add3A_199 = arith.addf %add3A_188, %gather3A_198 : vector<16xf32>
      %iota3A_200 = tpu.iota {dimensions = array<i32: 0>} : vector<16xi32>
      %add3A_201 = arith.constant 2 : i32
      %add3A_202 = vector.broadcast %add3A_201 : i32 to vector<16xi32>
      %add3A_203 = arith.addi %iota3A_200, %add3A_202 : vector<16xi32>
      %and3A_204 = arith.constant 15 : i32
      %and3A_205 = vector.broadcast %and3A_204 : i32 to vector<16xi32>
      %and3A_206 = arith.andi %add3A_203, %and3A_205 : vector<16xi32>
      %reshape3A_207 = vector.shape_cast %and3A_206 : vector<16xi32> to vector<16x1xi32>
      %gather3A_208 = vector.shape_cast %reshape3A_207 : vector<16x1xi32> to vector<16xi32>
      %gather3A_209 = tpu.dynamic_gather %add3A_199[%gather3A_208] in [0] : vector<16xf32>, vector<16xi32> -> vector<16xf32>
      %add3A_210 = arith.addf %add3A_199, %gather3A_209 : vector<16xf32>
      %iota3A_211 = tpu.iota {dimensions = array<i32: 0>} : vector<16xi32>
      %add3A_212 = arith.constant 1 : i32
      %add3A_213 = vector.broadcast %add3A_212 : i32 to vector<16xi32>
      %add3A_214 = arith.addi %iota3A_211, %add3A_213 : vector<16xi32>
      %and3A_215 = arith.constant 15 : i32
      %and3A_216 = vector.broadcast %and3A_215 : i32 to vector<16xi32>
      %and3A_217 = arith.andi %add3A_214, %and3A_216 : vector<16xi32>
      %reshape3A_218 = vector.shape_cast %and3A_217 : vector<16xi32> to vector<16x1xi32>
      %gather3A_219 = vector.shape_cast %reshape3A_218 : vector<16x1xi32> to vector<16xi32>
      %gather3A_220 = tpu.dynamic_gather %add3A_210[%gather3A_219] in [0] : vector<16xf32>, vector<16xi32> -> vector<16xf32>
      %add3A_221 = arith.addf %add3A_210, %gather3A_220 : vector<16xf32>
      %slice3A_222 = vector.extract_strided_slice %add3A_221 {offsets = [0], sizes = [1], strides = [1]} : vector<16xf32> to vector<1xf32>
      %squeeze3A_223 = vector.extract %slice3A_222[0] : f32 from vector<1xf32>
      %slice3A_224 = vector.extract_strided_slice %get3A_25 {offsets = [9], sizes = [1], strides = [1]} : vector<16xf32> to vector<1xf32>
      %squeeze3A_225 = vector.extract %slice3A_224[0] : f32 from vector<1xf32>
      %gt3A_226 = arith.cmpf ogt, %squeeze3A_223, %squeeze3A_225 : f32
      %jit3A_227 = arith.constant 64 : i32
      %jit3A_228 = arith.constant 0 : i32
      %select_n3A_229 = arith.select %gt3A_226, %jit3A_227, %jit3A_228 : i32
      %add3A_230 = arith.addi %add3A_124, %select_n3A_229 : i32
      %iota3A_231 = tpu.iota {dimensions = array<i32: 0>} : vector<16xi32>
      %add3A_232 = arith.constant 8 : i32
      %add3A_233 = vector.broadcast %add3A_232 : i32 to vector<16xi32>
      %add3A_234 = arith.addi %iota3A_231, %add3A_233 : vector<16xi32>
      %and3A_235 = arith.constant 15 : i32
      %and3A_236 = vector.broadcast %and3A_235 : i32 to vector<16xi32>
      %and3A_237 = arith.andi %add3A_234, %and3A_236 : vector<16xi32>
      %reshape3A_238 = vector.shape_cast %and3A_237 : vector<16xi32> to vector<16x1xi32>
      %gather3A_239 = vector.shape_cast %reshape3A_238 : vector<16x1xi32> to vector<16xi32>
      %gather3A_240 = tpu.dynamic_gather %scan3A_22#2[%gather3A_239] in [0] : vector<16xf32>, vector<16xi32> -> vector<16xf32>
      %add3A_241 = arith.addf %scan3A_22#2, %gather3A_240 : vector<16xf32>
      %iota3A_242 = tpu.iota {dimensions = array<i32: 0>} : vector<16xi32>
      %add3A_243 = arith.constant 4 : i32
      %add3A_244 = vector.broadcast %add3A_243 : i32 to vector<16xi32>
      %add3A_245 = arith.addi %iota3A_242, %add3A_244 : vector<16xi32>
      %and3A_246 = arith.constant 15 : i32
      %and3A_247 = vector.broadcast %and3A_246 : i32 to vector<16xi32>
      %and3A_248 = arith.andi %add3A_245, %and3A_247 : vector<16xi32>
      %reshape3A_249 = vector.shape_cast %and3A_248 : vector<16xi32> to vector<16x1xi32>
      %gather3A_250 = vector.shape_cast %reshape3A_249 : vector<16x1xi32> to vector<16xi32>
      %gather3A_251 = tpu.dynamic_gather %add3A_241[%gather3A_250] in [0] : vector<16xf32>, vector<16xi32> -> vector<16xf32>
      %add3A_252 = arith.addf %add3A_241, %gather3A_251 : vector<16xf32>
      %iota3A_253 = tpu.iota {dimensions = array<i32: 0>} : vector<16xi32>
      %add3A_254 = arith.constant 2 : i32
      %add3A_255 = vector.broadcast %add3A_254 : i32 to vector<16xi32>
      %add3A_256 = arith.addi %iota3A_253, %add3A_255 : vector<16xi32>
      %and3A_257 = arith.constant 15 : i32
      %and3A_258 = vector.broadcast %and3A_257 : i32 to vector<16xi32>
      %and3A_259 = arith.andi %add3A_256, %and3A_258 : vector<16xi32>
      %reshape3A_260 = vector.shape_cast %and3A_259 : vector<16xi32> to vector<16x1xi32>
      %gather3A_261 = vector.shape_cast %reshape3A_260 : vector<16x1xi32> to vector<16xi32>
      %gather3A_262 = tpu.dynamic_gather %add3A_252[%gather3A_261] in [0] : vector<16xf32>, vector<16xi32> -> vector<16xf32>
      %add3A_263 = arith.addf %add3A_252, %gather3A_262 : vector<16xf32>
      %iota3A_264 = tpu.iota {dimensions = array<i32: 0>} : vector<16xi32>
      %add3A_265 = arith.constant 1 : i32
      %add3A_266 = vector.broadcast %add3A_265 : i32 to vector<16xi32>
      %add3A_267 = arith.addi %iota3A_264, %add3A_266 : vector<16xi32>
      %and3A_268 = arith.constant 15 : i32
      %and3A_269 = vector.broadcast %and3A_268 : i32 to vector<16xi32>
      %and3A_270 = arith.andi %add3A_267, %and3A_269 : vector<16xi32>
      %reshape3A_271 = vector.shape_cast %and3A_270 : vector<16xi32> to vector<16x1xi32>
      %gather3A_272 = vector.shape_cast %reshape3A_271 : vector<16x1xi32> to vector<16xi32>
      %gather3A_273 = tpu.dynamic_gather %add3A_263[%gather3A_272] in [0] : vector<16xf32>, vector<16xi32> -> vector<16xf32>
      %add3A_274 = arith.addf %add3A_263, %gather3A_273 : vector<16xf32>
      %slice3A_275 = vector.extract_strided_slice %add3A_274 {offsets = [0], sizes = [1], strides = [1]} : vector<16xf32> to vector<1xf32>
      %squeeze3A_276 = vector.extract %slice3A_275[0] : f32 from vector<1xf32>
      %slice3A_277 = vector.extract_strided_slice %get3A_25 {offsets = [2], sizes = [1], strides = [1]} : vector<16xf32> to vector<1xf32>
      %squeeze3A_278 = vector.extract %slice3A_277[0] : f32 from vector<1xf32>
      %gt3A_279 = arith.cmpf ogt, %squeeze3A_276, %squeeze3A_278 : f32
      %jit3A_280 = arith.constant 32 : i32
      %jit3A_281 = arith.constant 0 : i32
      %select_n3A_282 = arith.select %gt3A_279, %jit3A_280, %jit3A_281 : i32
      %add3A_283 = arith.addi %add3A_177, %select_n3A_282 : i32
      %iota3A_284 = tpu.iota {dimensions = array<i32: 0>} : vector<16xi32>
      %add3A_285 = arith.constant 8 : i32
      %add3A_286 = vector.broadcast %add3A_285 : i32 to vector<16xi32>
      %add3A_287 = arith.addi %iota3A_284, %add3A_286 : vector<16xi32>
      %and3A_288 = arith.constant 15 : i32
      %and3A_289 = vector.broadcast %and3A_288 : i32 to vector<16xi32>
      %and3A_290 = arith.andi %add3A_287, %and3A_289 : vector<16xi32>
      %reshape3A_291 = vector.shape_cast %and3A_290 : vector<16xi32> to vector<16x1xi32>
      %gather3A_292 = vector.shape_cast %reshape3A_291 : vector<16x1xi32> to vector<16xi32>
      %gather3A_293 = tpu.dynamic_gather %scan3A_22#10[%gather3A_292] in [0] : vector<16xf32>, vector<16xi32> -> vector<16xf32>
      %add3A_294 = arith.addf %scan3A_22#10, %gather3A_293 : vector<16xf32>
      %iota3A_295 = tpu.iota {dimensions = array<i32: 0>} : vector<16xi32>
      %add3A_296 = arith.constant 4 : i32
      %add3A_297 = vector.broadcast %add3A_296 : i32 to vector<16xi32>
      %add3A_298 = arith.addi %iota3A_295, %add3A_297 : vector<16xi32>
      %and3A_299 = arith.constant 15 : i32
      %and3A_300 = vector.broadcast %and3A_299 : i32 to vector<16xi32>
      %and3A_301 = arith.andi %add3A_298, %and3A_300 : vector<16xi32>
      %reshape3A_302 = vector.shape_cast %and3A_301 : vector<16xi32> to vector<16x1xi32>
      %gather3A_303 = vector.shape_cast %reshape3A_302 : vector<16x1xi32> to vector<16xi32>
      %gather3A_304 = tpu.dynamic_gather %add3A_294[%gather3A_303] in [0] : vector<16xf32>, vector<16xi32> -> vector<16xf32>
      %add3A_305 = arith.addf %add3A_294, %gather3A_304 : vector<16xf32>
      %iota3A_306 = tpu.iota {dimensions = array<i32: 0>} : vector<16xi32>
      %add3A_307 = arith.constant 2 : i32
      %add3A_308 = vector.broadcast %add3A_307 : i32 to vector<16xi32>
      %add3A_309 = arith.addi %iota3A_306, %add3A_308 : vector<16xi32>
      %and3A_310 = arith.constant 15 : i32
      %and3A_311 = vector.broadcast %and3A_310 : i32 to vector<16xi32>
      %and3A_312 = arith.andi %add3A_309, %and3A_311 : vector<16xi32>
      %reshape3A_313 = vector.shape_cast %and3A_312 : vector<16xi32> to vector<16x1xi32>
      %gather3A_314 = vector.shape_cast %reshape3A_313 : vector<16x1xi32> to vector<16xi32>
      %gather3A_315 = tpu.dynamic_gather %add3A_305[%gather3A_314] in [0] : vector<16xf32>, vector<16xi32> -> vector<16xf32>
      %add3A_316 = arith.addf %add3A_305, %gather3A_315 : vector<16xf32>
      %iota3A_317 = tpu.iota {dimensions = array<i32: 0>} : vector<16xi32>
      %add3A_318 = arith.constant 1 : i32
      %add3A_319 = vector.broadcast %add3A_318 : i32 to vector<16xi32>
      %add3A_320 = arith.addi %iota3A_317, %add3A_319 : vector<16xi32>
      %and3A_321 = arith.constant 15 : i32
      %and3A_322 = vector.broadcast %and3A_321 : i32 to vector<16xi32>
      %and3A_323 = arith.andi %add3A_320, %and3A_322 : vector<16xi32>
      %reshape3A_324 = vector.shape_cast %and3A_323 : vector<16xi32> to vector<16x1xi32>
      %gather3A_325 = vector.shape_cast %reshape3A_324 : vector<16x1xi32> to vector<16xi32>
      %gather3A_326 = tpu.dynamic_gather %add3A_316[%gather3A_325] in [0] : vector<16xf32>, vector<16xi32> -> vector<16xf32>
      %add3A_327 = arith.addf %add3A_316, %gather3A_326 : vector<16xf32>
      %slice3A_328 = vector.extract_strided_slice %add3A_327 {offsets = [0], sizes = [1], strides = [1]} : vector<16xf32> to vector<1xf32>
      %squeeze3A_329 = vector.extract %slice3A_328[0] : f32 from vector<1xf32>
      %slice3A_330 = vector.extract_strided_slice %get3A_25 {offsets = [10], sizes = [1], strides = [1]} : vector<16xf32> to vector<1xf32>
      %squeeze3A_331 = vector.extract %slice3A_330[0] : f32 from vector<1xf32>
      %gt3A_332 = arith.cmpf ogt, %squeeze3A_329, %squeeze3A_331 : f32
      %jit3A_333 = arith.constant 32 : i32
      %jit3A_334 = arith.constant 0 : i32
      %select_n3A_335 = arith.select %gt3A_332, %jit3A_333, %jit3A_334 : i32
      %add3A_336 = arith.addi %add3A_230, %select_n3A_335 : i32
      %iota3A_337 = tpu.iota {dimensions = array<i32: 0>} : vector<16xi32>
      %add3A_338 = arith.constant 8 : i32
      %add3A_339 = vector.broadcast %add3A_338 : i32 to vector<16xi32>
      %add3A_340 = arith.addi %iota3A_337, %add3A_339 : vector<16xi32>
      %and3A_341 = arith.constant 15 : i32
      %and3A_342 = vector.broadcast %and3A_341 : i32 to vector<16xi32>
      %and3A_343 = arith.andi %add3A_340, %and3A_342 : vector<16xi32>
      %reshape3A_344 = vector.shape_cast %and3A_343 : vector<16xi32> to vector<16x1xi32>
      %gather3A_345 = vector.shape_cast %reshape3A_344 : vector<16x1xi32> to vector<16xi32>
      %gather3A_346 = tpu.dynamic_gather %scan3A_22#3[%gather3A_345] in [0] : vector<16xf32>, vector<16xi32> -> vector<16xf32>
      %add3A_347 = arith.addf %scan3A_22#3, %gather3A_346 : vector<16xf32>
      %iota3A_348 = tpu.iota {dimensions = array<i32: 0>} : vector<16xi32>
      %add3A_349 = arith.constant 4 : i32
      %add3A_350 = vector.broadcast %add3A_349 : i32 to vector<16xi32>
      %add3A_351 = arith.addi %iota3A_348, %add3A_350 : vector<16xi32>
      %and3A_352 = arith.constant 15 : i32
      %and3A_353 = vector.broadcast %and3A_352 : i32 to vector<16xi32>
      %and3A_354 = arith.andi %add3A_351, %and3A_353 : vector<16xi32>
      %reshape3A_355 = vector.shape_cast %and3A_354 : vector<16xi32> to vector<16x1xi32>
      %gather3A_356 = vector.shape_cast %reshape3A_355 : vector<16x1xi32> to vector<16xi32>
      %gather3A_357 = tpu.dynamic_gather %add3A_347[%gather3A_356] in [0] : vector<16xf32>, vector<16xi32> -> vector<16xf32>
      %add3A_358 = arith.addf %add3A_347, %gather3A_357 : vector<16xf32>
      %iota3A_359 = tpu.iota {dimensions = array<i32: 0>} : vector<16xi32>
      %add3A_360 = arith.constant 2 : i32
      %add3A_361 = vector.broadcast %add3A_360 : i32 to vector<16xi32>
      %add3A_362 = arith.addi %iota3A_359, %add3A_361 : vector<16xi32>
      %and3A_363 = arith.constant 15 : i32
      %and3A_364 = vector.broadcast %and3A_363 : i32 to vector<16xi32>
      %and3A_365 = arith.andi %add3A_362, %and3A_364 : vector<16xi32>
      %reshape3A_366 = vector.shape_cast %and3A_365 : vector<16xi32> to vector<16x1xi32>
      %gather3A_367 = vector.shape_cast %reshape3A_366 : vector<16x1xi32> to vector<16xi32>
      %gather3A_368 = tpu.dynamic_gather %add3A_358[%gather3A_367] in [0] : vector<16xf32>, vector<16xi32> -> vector<16xf32>
      %add3A_369 = arith.addf %add3A_358, %gather3A_368 : vector<16xf32>
      %iota3A_370 = tpu.iota {dimensions = array<i32: 0>} : vector<16xi32>
      %add3A_371 = arith.constant 1 : i32
      %add3A_372 = vector.broadcast %add3A_371 : i32 to vector<16xi32>
      %add3A_373 = arith.addi %iota3A_370, %add3A_372 : vector<16xi32>
      %and3A_374 = arith.constant 15 : i32
      %and3A_375 = vector.broadcast %and3A_374 : i32 to vector<16xi32>
      %and3A_376 = arith.andi %add3A_373, %and3A_375 : vector<16xi32>
      %reshape3A_377 = vector.shape_cast %and3A_376 : vector<16xi32> to vector<16x1xi32>
      %gather3A_378 = vector.shape_cast %reshape3A_377 : vector<16x1xi32> to vector<16xi32>
      %gather3A_379 = tpu.dynamic_gather %add3A_369[%gather3A_378] in [0] : vector<16xf32>, vector<16xi32> -> vector<16xf32>
      %add3A_380 = arith.addf %add3A_369, %gather3A_379 : vector<16xf32>
      %slice3A_381 = vector.extract_strided_slice %add3A_380 {offsets = [0], sizes = [1], strides = [1]} : vector<16xf32> to vector<1xf32>
      %squeeze3A_382 = vector.extract %slice3A_381[0] : f32 from vector<1xf32>
      %slice3A_383 = vector.extract_strided_slice %get3A_25 {offsets = [3], sizes = [1], strides = [1]} : vector<16xf32> to vector<1xf32>
      %squeeze3A_384 = vector.extract %slice3A_383[0] : f32 from vector<1xf32>
      %gt3A_385 = arith.cmpf ogt, %squeeze3A_382, %squeeze3A_384 : f32
      %jit3A_386 = arith.constant 16 : i32
      %jit3A_387 = arith.constant 0 : i32
      %select_n3A_388 = arith.select %gt3A_385, %jit3A_386, %jit3A_387 : i32
      %add3A_389 = arith.addi %add3A_283, %select_n3A_388 : i32
      %iota3A_390 = tpu.iota {dimensions = array<i32: 0>} : vector<16xi32>
      %add3A_391 = arith.constant 8 : i32
      %add3A_392 = vector.broadcast %add3A_391 : i32 to vector<16xi32>
      %add3A_393 = arith.addi %iota3A_390, %add3A_392 : vector<16xi32>
      %and3A_394 = arith.constant 15 : i32
      %and3A_395 = vector.broadcast %and3A_394 : i32 to vector<16xi32>
      %and3A_396 = arith.andi %add3A_393, %and3A_395 : vector<16xi32>
      %reshape3A_397 = vector.shape_cast %and3A_396 : vector<16xi32> to vector<16x1xi32>
      %gather3A_398 = vector.shape_cast %reshape3A_397 : vector<16x1xi32> to vector<16xi32>
      %gather3A_399 = tpu.dynamic_gather %scan3A_22#11[%gather3A_398] in [0] : vector<16xf32>, vector<16xi32> -> vector<16xf32>
      %add3A_400 = arith.addf %scan3A_22#11, %gather3A_399 : vector<16xf32>
      %iota3A_401 = tpu.iota {dimensions = array<i32: 0>} : vector<16xi32>
      %add3A_402 = arith.constant 4 : i32
      %add3A_403 = vector.broadcast %add3A_402 : i32 to vector<16xi32>
      %add3A_404 = arith.addi %iota3A_401, %add3A_403 : vector<16xi32>
      %and3A_405 = arith.constant 15 : i32
      %and3A_406 = vector.broadcast %and3A_405 : i32 to vector<16xi32>
      %and3A_407 = arith.andi %add3A_404, %and3A_406 : vector<16xi32>
      %reshape3A_408 = vector.shape_cast %and3A_407 : vector<16xi32> to vector<16x1xi32>
      %gather3A_409 = vector.shape_cast %reshape3A_408 : vector<16x1xi32> to vector<16xi32>
      %gather3A_410 = tpu.dynamic_gather %add3A_400[%gather3A_409] in [0] : vector<16xf32>, vector<16xi32> -> vector<16xf32>
      %add3A_411 = arith.addf %add3A_400, %gather3A_410 : vector<16xf32>
      %iota3A_412 = tpu.iota {dimensions = array<i32: 0>} : vector<16xi32>
      %add3A_413 = arith.constant 2 : i32
      %add3A_414 = vector.broadcast %add3A_413 : i32 to vector<16xi32>
      %add3A_415 = arith.addi %iota3A_412, %add3A_414 : vector<16xi32>
      %and3A_416 = arith.constant 15 : i32
      %and3A_417 = vector.broadcast %and3A_416 : i32 to vector<16xi32>
      %and3A_418 = arith.andi %add3A_415, %and3A_417 : vector<16xi32>
      %reshape3A_419 = vector.shape_cast %and3A_418 : vector<16xi32> to vector<16x1xi32>
      %gather3A_420 = vector.shape_cast %reshape3A_419 : vector<16x1xi32> to vector<16xi32>
      %gather3A_421 = tpu.dynamic_gather %add3A_411[%gather3A_420] in [0] : vector<16xf32>, vector<16xi32> -> vector<16xf32>
      %add3A_422 = arith.addf %add3A_411, %gather3A_421 : vector<16xf32>
      %iota3A_423 = tpu.iota {dimensions = array<i32: 0>} : vector<16xi32>
      %add3A_424 = arith.constant 1 : i32
      %add3A_425 = vector.broadcast %add3A_424 : i32 to vector<16xi32>
      %add3A_426 = arith.addi %iota3A_423, %add3A_425 : vector<16xi32>
      %and3A_427 = arith.constant 15 : i32
      %and3A_428 = vector.broadcast %and3A_427 : i32 to vector<16xi32>
      %and3A_429 = arith.andi %add3A_426, %and3A_428 : vector<16xi32>
      %reshape3A_430 = vector.shape_cast %and3A_429 : vector<16xi32> to vector<16x1xi32>
      %gather3A_431 = vector.shape_cast %reshape3A_430 : vector<16x1xi32> to vector<16xi32>
      %gather3A_432 = tpu.dynamic_gather %add3A_422[%gather3A_431] in [0] : vector<16xf32>, vector<16xi32> -> vector<16xf32>
      %add3A_433 = arith.addf %add3A_422, %gather3A_432 : vector<16xf32>
      %slice3A_434 = vector.extract_strided_slice %add3A_433 {offsets = [0], sizes = [1], strides = [1]} : vector<16xf32> to vector<1xf32>
      %squeeze3A_435 = vector.extract %slice3A_434[0] : f32 from vector<1xf32>
      %slice3A_436 = vector.extract_strided_slice %get3A_25 {offsets = [11], sizes = [1], strides = [1]} : vector<16xf32> to vector<1xf32>
      %squeeze3A_437 = vector.extract %slice3A_436[0] : f32 from vector<1xf32>
      %gt3A_438 = arith.cmpf ogt, %squeeze3A_435, %squeeze3A_437 : f32
      %jit3A_439 = arith.constant 16 : i32
      %jit3A_440 = arith.constant 0 : i32
      %select_n3A_441 = arith.select %gt3A_438, %jit3A_439, %jit3A_440 : i32
      %add3A_442 = arith.addi %add3A_336, %select_n3A_441 : i32
      %iota3A_443 = tpu.iota {dimensions = array<i32: 0>} : vector<16xi32>
      %add3A_444 = arith.constant 8 : i32
      %add3A_445 = vector.broadcast %add3A_444 : i32 to vector<16xi32>
      %add3A_446 = arith.addi %iota3A_443, %add3A_445 : vector<16xi32>
      %and3A_447 = arith.constant 15 : i32
      %and3A_448 = vector.broadcast %and3A_447 : i32 to vector<16xi32>
      %and3A_449 = arith.andi %add3A_446, %and3A_448 : vector<16xi32>
      %reshape3A_450 = vector.shape_cast %and3A_449 : vector<16xi32> to vector<16x1xi32>
      %gather3A_451 = vector.shape_cast %reshape3A_450 : vector<16x1xi32> to vector<16xi32>
      %gather3A_452 = tpu.dynamic_gather %scan3A_22#4[%gather3A_451] in [0] : vector<16xf32>, vector<16xi32> -> vector<16xf32>
      %add3A_453 = arith.addf %scan3A_22#4, %gather3A_452 : vector<16xf32>
      %iota3A_454 = tpu.iota {dimensions = array<i32: 0>} : vector<16xi32>
      %add3A_455 = arith.constant 4 : i32
      %add3A_456 = vector.broadcast %add3A_455 : i32 to vector<16xi32>
      %add3A_457 = arith.addi %iota3A_454, %add3A_456 : vector<16xi32>
      %and3A_458 = arith.constant 15 : i32
      %and3A_459 = vector.broadcast %and3A_458 : i32 to vector<16xi32>
      %and3A_460 = arith.andi %add3A_457, %and3A_459 : vector<16xi32>
      %reshape3A_461 = vector.shape_cast %and3A_460 : vector<16xi32> to vector<16x1xi32>
      %gather3A_462 = vector.shape_cast %reshape3A_461 : vector<16x1xi32> to vector<16xi32>
      %gather3A_463 = tpu.dynamic_gather %add3A_453[%gather3A_462] in [0] : vector<16xf32>, vector<16xi32> -> vector<16xf32>
      %add3A_464 = arith.addf %add3A_453, %gather3A_463 : vector<16xf32>
      %iota3A_465 = tpu.iota {dimensions = array<i32: 0>} : vector<16xi32>
      %add3A_466 = arith.constant 2 : i32
      %add3A_467 = vector.broadcast %add3A_466 : i32 to vector<16xi32>
      %add3A_468 = arith.addi %iota3A_465, %add3A_467 : vector<16xi32>
      %and3A_469 = arith.constant 15 : i32
      %and3A_470 = vector.broadcast %and3A_469 : i32 to vector<16xi32>
      %and3A_471 = arith.andi %add3A_468, %and3A_470 : vector<16xi32>
      %reshape3A_472 = vector.shape_cast %and3A_471 : vector<16xi32> to vector<16x1xi32>
      %gather3A_473 = vector.shape_cast %reshape3A_472 : vector<16x1xi32> to vector<16xi32>
      %gather3A_474 = tpu.dynamic_gather %add3A_464[%gather3A_473] in [0] : vector<16xf32>, vector<16xi32> -> vector<16xf32>
      %add3A_475 = arith.addf %add3A_464, %gather3A_474 : vector<16xf32>
      %iota3A_476 = tpu.iota {dimensions = array<i32: 0>} : vector<16xi32>
      %add3A_477 = arith.constant 1 : i32
      %add3A_478 = vector.broadcast %add3A_477 : i32 to vector<16xi32>
      %add3A_479 = arith.addi %iota3A_476, %add3A_478 : vector<16xi32>
      %and3A_480 = arith.constant 15 : i32
      %and3A_481 = vector.broadcast %and3A_480 : i32 to vector<16xi32>
      %and3A_482 = arith.andi %add3A_479, %and3A_481 : vector<16xi32>
      %reshape3A_483 = vector.shape_cast %and3A_482 : vector<16xi32> to vector<16x1xi32>
      %gather3A_484 = vector.shape_cast %reshape3A_483 : vector<16x1xi32> to vector<16xi32>
      %gather3A_485 = tpu.dynamic_gather %add3A_475[%gather3A_484] in [0] : vector<16xf32>, vector<16xi32> -> vector<16xf32>
      %add3A_486 = arith.addf %add3A_475, %gather3A_485 : vector<16xf32>
      %slice3A_487 = vector.extract_strided_slice %add3A_486 {offsets = [0], sizes = [1], strides = [1]} : vector<16xf32> to vector<1xf32>
      %squeeze3A_488 = vector.extract %slice3A_487[0] : f32 from vector<1xf32>
      %slice3A_489 = vector.extract_strided_slice %get3A_25 {offsets = [4], sizes = [1], strides = [1]} : vector<16xf32> to vector<1xf32>
      %squeeze3A_490 = vector.extract %slice3A_489[0] : f32 from vector<1xf32>
      %gt3A_491 = arith.cmpf ogt, %squeeze3A_488, %squeeze3A_490 : f32
      %jit3A_492 = arith.constant 8 : i32
      %jit3A_493 = arith.constant 0 : i32
      %select_n3A_494 = arith.select %gt3A_491, %jit3A_492, %jit3A_493 : i32
      %add3A_495 = arith.addi %add3A_389, %select_n3A_494 : i32
      %iota3A_496 = tpu.iota {dimensions = array<i32: 0>} : vector<16xi32>
      %add3A_497 = arith.constant 8 : i32
      %add3A_498 = vector.broadcast %add3A_497 : i32 to vector<16xi32>
      %add3A_499 = arith.addi %iota3A_496, %add3A_498 : vector<16xi32>
      %and3A_500 = arith.constant 15 : i32
      %and3A_501 = vector.broadcast %and3A_500 : i32 to vector<16xi32>
      %and3A_502 = arith.andi %add3A_499, %and3A_501 : vector<16xi32>
      %reshape3A_503 = vector.shape_cast %and3A_502 : vector<16xi32> to vector<16x1xi32>
      %gather3A_504 = vector.shape_cast %reshape3A_503 : vector<16x1xi32> to vector<16xi32>
      %gather3A_505 = tpu.dynamic_gather %scan3A_22#12[%gather3A_504] in [0] : vector<16xf32>, vector<16xi32> -> vector<16xf32>
      %add3A_506 = arith.addf %scan3A_22#12, %gather3A_505 : vector<16xf32>
      %iota3A_507 = tpu.iota {dimensions = array<i32: 0>} : vector<16xi32>
      %add3A_508 = arith.constant 4 : i32
      %add3A_509 = vector.broadcast %add3A_508 : i32 to vector<16xi32>
      %add3A_510 = arith.addi %iota3A_507, %add3A_509 : vector<16xi32>
      %and3A_511 = arith.constant 15 : i32
      %and3A_512 = vector.broadcast %and3A_511 : i32 to vector<16xi32>
      %and3A_513 = arith.andi %add3A_510, %and3A_512 : vector<16xi32>
      %reshape3A_514 = vector.shape_cast %and3A_513 : vector<16xi32> to vector<16x1xi32>
      %gather3A_515 = vector.shape_cast %reshape3A_514 : vector<16x1xi32> to vector<16xi32>
      %gather3A_516 = tpu.dynamic_gather %add3A_506[%gather3A_515] in [0] : vector<16xf32>, vector<16xi32> -> vector<16xf32>
      %add3A_517 = arith.addf %add3A_506, %gather3A_516 : vector<16xf32>
      %iota3A_518 = tpu.iota {dimensions = array<i32: 0>} : vector<16xi32>
      %add3A_519 = arith.constant 2 : i32
      %add3A_520 = vector.broadcast %add3A_519 : i32 to vector<16xi32>
      %add3A_521 = arith.addi %iota3A_518, %add3A_520 : vector<16xi32>
      %and3A_522 = arith.constant 15 : i32
      %and3A_523 = vector.broadcast %and3A_522 : i32 to vector<16xi32>
      %and3A_524 = arith.andi %add3A_521, %and3A_523 : vector<16xi32>
      %reshape3A_525 = vector.shape_cast %and3A_524 : vector<16xi32> to vector<16x1xi32>
      %gather3A_526 = vector.shape_cast %reshape3A_525 : vector<16x1xi32> to vector<16xi32>
      %gather3A_527 = tpu.dynamic_gather %add3A_517[%gather3A_526] in [0] : vector<16xf32>, vector<16xi32> -> vector<16xf32>
      %add3A_528 = arith.addf %add3A_517, %gather3A_527 : vector<16xf32>
      %iota3A_529 = tpu.iota {dimensions = array<i32: 0>} : vector<16xi32>
      %add3A_530 = arith.constant 1 : i32
      %add3A_531 = vector.broadcast %add3A_530 : i32 to vector<16xi32>
      %add3A_532 = arith.addi %iota3A_529, %add3A_531 : vector<16xi32>
      %and3A_533 = arith.constant 15 : i32
      %and3A_534 = vector.broadcast %and3A_533 : i32 to vector<16xi32>
      %and3A_535 = arith.andi %add3A_532, %and3A_534 : vector<16xi32>
      %reshape3A_536 = vector.shape_cast %and3A_535 : vector<16xi32> to vector<16x1xi32>
      %gather3A_537 = vector.shape_cast %reshape3A_536 : vector<16x1xi32> to vector<16xi32>
      %gather3A_538 = tpu.dynamic_gather %add3A_528[%gather3A_537] in [0] : vector<16xf32>, vector<16xi32> -> vector<16xf32>
      %add3A_539 = arith.addf %add3A_528, %gather3A_538 : vector<16xf32>
      %slice3A_540 = vector.extract_strided_slice %add3A_539 {offsets = [0], sizes = [1], strides = [1]} : vector<16xf32> to vector<1xf32>
      %squeeze3A_541 = vector.extract %slice3A_540[0] : f32 from vector<1xf32>
      %slice3A_542 = vector.extract_strided_slice %get3A_25 {offsets = [12], sizes = [1], strides = [1]} : vector<16xf32> to vector<1xf32>
      %squeeze3A_543 = vector.extract %slice3A_542[0] : f32 from vector<1xf32>
      %gt3A_544 = arith.cmpf ogt, %squeeze3A_541, %squeeze3A_543 : f32
      %jit3A_545 = arith.constant 8 : i32
      %jit3A_546 = arith.constant 0 : i32
      %select_n3A_547 = arith.select %gt3A_544, %jit3A_545, %jit3A_546 : i32
      %add3A_548 = arith.addi %add3A_442, %select_n3A_547 : i32
      %iota3A_549 = tpu.iota {dimensions = array<i32: 0>} : vector<16xi32>
      %add3A_550 = arith.constant 8 : i32
      %add3A_551 = vector.broadcast %add3A_550 : i32 to vector<16xi32>
      %add3A_552 = arith.addi %iota3A_549, %add3A_551 : vector<16xi32>
      %and3A_553 = arith.constant 15 : i32
      %and3A_554 = vector.broadcast %and3A_553 : i32 to vector<16xi32>
      %and3A_555 = arith.andi %add3A_552, %and3A_554 : vector<16xi32>
      %reshape3A_556 = vector.shape_cast %and3A_555 : vector<16xi32> to vector<16x1xi32>
      %gather3A_557 = vector.shape_cast %reshape3A_556 : vector<16x1xi32> to vector<16xi32>
      %gather3A_558 = tpu.dynamic_gather %scan3A_22#5[%gather3A_557] in [0] : vector<16xf32>, vector<16xi32> -> vector<16xf32>
      %add3A_559 = arith.addf %scan3A_22#5, %gather3A_558 : vector<16xf32>
      %iota3A_560 = tpu.iota {dimensions = array<i32: 0>} : vector<16xi32>
      %add3A_561 = arith.constant 4 : i32
      %add3A_562 = vector.broadcast %add3A_561 : i32 to vector<16xi32>
      %add3A_563 = arith.addi %iota3A_560, %add3A_562 : vector<16xi32>
      %and3A_564 = arith.constant 15 : i32
      %and3A_565 = vector.broadcast %and3A_564 : i32 to vector<16xi32>
      %and3A_566 = arith.andi %add3A_563, %and3A_565 : vector<16xi32>
      %reshape3A_567 = vector.shape_cast %and3A_566 : vector<16xi32> to vector<16x1xi32>
      %gather3A_568 = vector.shape_cast %reshape3A_567 : vector<16x1xi32> to vector<16xi32>
      %gather3A_569 = tpu.dynamic_gather %add3A_559[%gather3A_568] in [0] : vector<16xf32>, vector<16xi32> -> vector<16xf32>
      %add3A_570 = arith.addf %add3A_559, %gather3A_569 : vector<16xf32>
      %iota3A_571 = tpu.iota {dimensions = array<i32: 0>} : vector<16xi32>
      %add3A_572 = arith.constant 2 : i32
      %add3A_573 = vector.broadcast %add3A_572 : i32 to vector<16xi32>
      %add3A_574 = arith.addi %iota3A_571, %add3A_573 : vector<16xi32>
      %and3A_575 = arith.constant 15 : i32
      %and3A_576 = vector.broadcast %and3A_575 : i32 to vector<16xi32>
      %and3A_577 = arith.andi %add3A_574, %and3A_576 : vector<16xi32>
      %reshape3A_578 = vector.shape_cast %and3A_577 : vector<16xi32> to vector<16x1xi32>
      %gather3A_579 = vector.shape_cast %reshape3A_578 : vector<16x1xi32> to vector<16xi32>
      %gather3A_580 = tpu.dynamic_gather %add3A_570[%gather3A_579] in [0] : vector<16xf32>, vector<16xi32> -> vector<16xf32>
      %add3A_581 = arith.addf %add3A_570, %gather3A_580 : vector<16xf32>
      %iota3A_582 = tpu.iota {dimensions = array<i32: 0>} : vector<16xi32>
      %add3A_583 = arith.constant 1 : i32
      %add3A_584 = vector.broadcast %add3A_583 : i32 to vector<16xi32>
      %add3A_585 = arith.addi %iota3A_582, %add3A_584 : vector<16xi32>
      %and3A_586 = arith.constant 15 : i32
      %and3A_587 = vector.broadcast %and3A_586 : i32 to vector<16xi32>
      %and3A_588 = arith.andi %add3A_585, %and3A_587 : vector<16xi32>
      %reshape3A_589 = vector.shape_cast %and3A_588 : vector<16xi32> to vector<16x1xi32>
      %gather3A_590 = vector.shape_cast %reshape3A_589 : vector<16x1xi32> to vector<16xi32>
      %gather3A_591 = tpu.dynamic_gather %add3A_581[%gather3A_590] in [0] : vector<16xf32>, vector<16xi32> -> vector<16xf32>
      %add3A_592 = arith.addf %add3A_581, %gather3A_591 : vector<16xf32>
      %slice3A_593 = vector.extract_strided_slice %add3A_592 {offsets = [0], sizes = [1], strides = [1]} : vector<16xf32> to vector<1xf32>
      %squeeze3A_594 = vector.extract %slice3A_593[0] : f32 from vector<1xf32>
      %slice3A_595 = vector.extract_strided_slice %get3A_25 {offsets = [5], sizes = [1], strides = [1]} : vector<16xf32> to vector<1xf32>
      %squeeze3A_596 = vector.extract %slice3A_595[0] : f32 from vector<1xf32>
      %gt3A_597 = arith.cmpf ogt, %squeeze3A_594, %squeeze3A_596 : f32
      %jit3A_598 = arith.constant 4 : i32
      %jit3A_599 = arith.constant 0 : i32
      %select_n3A_600 = arith.select %gt3A_597, %jit3A_598, %jit3A_599 : i32
      %add3A_601 = arith.addi %add3A_495, %select_n3A_600 : i32
      %iota3A_602 = tpu.iota {dimensions = array<i32: 0>} : vector<16xi32>
      %add3A_603 = arith.constant 8 : i32
      %add3A_604 = vector.broadcast %add3A_603 : i32 to vector<16xi32>
      %add3A_605 = arith.addi %iota3A_602, %add3A_604 : vector<16xi32>
      %and3A_606 = arith.constant 15 : i32
      %and3A_607 = vector.broadcast %and3A_606 : i32 to vector<16xi32>
      %and3A_608 = arith.andi %add3A_605, %and3A_607 : vector<16xi32>
      %reshape3A_609 = vector.shape_cast %and3A_608 : vector<16xi32> to vector<16x1xi32>
      %gather3A_610 = vector.shape_cast %reshape3A_609 : vector<16x1xi32> to vector<16xi32>
      %gather3A_611 = tpu.dynamic_gather %scan3A_22#13[%gather3A_610] in [0] : vector<16xf32>, vector<16xi32> -> vector<16xf32>
      %add3A_612 = arith.addf %scan3A_22#13, %gather3A_611 : vector<16xf32>
      %iota3A_613 = tpu.iota {dimensions = array<i32: 0>} : vector<16xi32>
      %add3A_614 = arith.constant 4 : i32
      %add3A_615 = vector.broadcast %add3A_614 : i32 to vector<16xi32>
      %add3A_616 = arith.addi %iota3A_613, %add3A_615 : vector<16xi32>
      %and3A_617 = arith.constant 15 : i32
      %and3A_618 = vector.broadcast %and3A_617 : i32 to vector<16xi32>
      %and3A_619 = arith.andi %add3A_616, %and3A_618 : vector<16xi32>
      %reshape3A_620 = vector.shape_cast %and3A_619 : vector<16xi32> to vector<16x1xi32>
      %gather3A_621 = vector.shape_cast %reshape3A_620 : vector<16x1xi32> to vector<16xi32>
      %gather3A_622 = tpu.dynamic_gather %add3A_612[%gather3A_621] in [0] : vector<16xf32>, vector<16xi32> -> vector<16xf32>
      %add3A_623 = arith.addf %add3A_612, %gather3A_622 : vector<16xf32>
      %iota3A_624 = tpu.iota {dimensions = array<i32: 0>} : vector<16xi32>
      %add3A_625 = arith.constant 2 : i32
      %add3A_626 = vector.broadcast %add3A_625 : i32 to vector<16xi32>
      %add3A_627 = arith.addi %iota3A_624, %add3A_626 : vector<16xi32>
      %and3A_628 = arith.constant 15 : i32
      %and3A_629 = vector.broadcast %and3A_628 : i32 to vector<16xi32>
      %and3A_630 = arith.andi %add3A_627, %and3A_629 : vector<16xi32>
      %reshape3A_631 = vector.shape_cast %and3A_630 : vector<16xi32> to vector<16x1xi32>
      %gather3A_632 = vector.shape_cast %reshape3A_631 : vector<16x1xi32> to vector<16xi32>
      %gather3A_633 = tpu.dynamic_gather %add3A_623[%gather3A_632] in [0] : vector<16xf32>, vector<16xi32> -> vector<16xf32>
      %add3A_634 = arith.addf %add3A_623, %gather3A_633 : vector<16xf32>
      %iota3A_635 = tpu.iota {dimensions = array<i32: 0>} : vector<16xi32>
      %add3A_636 = arith.constant 1 : i32
      %add3A_637 = vector.broadcast %add3A_636 : i32 to vector<16xi32>
      %add3A_638 = arith.addi %iota3A_635, %add3A_637 : vector<16xi32>
      %and3A_639 = arith.constant 15 : i32
      %and3A_640 = vector.broadcast %and3A_639 : i32 to vector<16xi32>
      %and3A_641 = arith.andi %add3A_638, %and3A_640 : vector<16xi32>
      %reshape3A_642 = vector.shape_cast %and3A_641 : vector<16xi32> to vector<16x1xi32>
      %gather3A_643 = vector.shape_cast %reshape3A_642 : vector<16x1xi32> to vector<16xi32>
      %gather3A_644 = tpu.dynamic_gather %add3A_634[%gather3A_643] in [0] : vector<16xf32>, vector<16xi32> -> vector<16xf32>
      %add3A_645 = arith.addf %add3A_634, %gather3A_644 : vector<16xf32>
      %slice3A_646 = vector.extract_strided_slice %add3A_645 {offsets = [0], sizes = [1], strides = [1]} : vector<16xf32> to vector<1xf32>
      %squeeze3A_647 = vector.extract %slice3A_646[0] : f32 from vector<1xf32>
      %slice3A_648 = vector.extract_strided_slice %get3A_25 {offsets = [13], sizes = [1], strides = [1]} : vector<16xf32> to vector<1xf32>
      %squeeze3A_649 = vector.extract %slice3A_648[0] : f32 from vector<1xf32>
      %gt3A_650 = arith.cmpf ogt, %squeeze3A_647, %squeeze3A_649 : f32
      %jit3A_651 = arith.constant 4 : i32
      %jit3A_652 = arith.constant 0 : i32
      %select_n3A_653 = arith.select %gt3A_650, %jit3A_651, %jit3A_652 : i32
      %add3A_654 = arith.addi %add3A_548, %select_n3A_653 : i32
      %iota3A_655 = tpu.iota {dimensions = array<i32: 0>} : vector<16xi32>
      %add3A_656 = arith.constant 8 : i32
      %add3A_657 = vector.broadcast %add3A_656 : i32 to vector<16xi32>
      %add3A_658 = arith.addi %iota3A_655, %add3A_657 : vector<16xi32>
      %and3A_659 = arith.constant 15 : i32
      %and3A_660 = vector.broadcast %and3A_659 : i32 to vector<16xi32>
      %and3A_661 = arith.andi %add3A_658, %and3A_660 : vector<16xi32>
      %reshape3A_662 = vector.shape_cast %and3A_661 : vector<16xi32> to vector<16x1xi32>
      %gather3A_663 = vector.shape_cast %reshape3A_662 : vector<16x1xi32> to vector<16xi32>
      %gather3A_664 = tpu.dynamic_gather %scan3A_22#6[%gather3A_663] in [0] : vector<16xf32>, vector<16xi32> -> vector<16xf32>
      %add3A_665 = arith.addf %scan3A_22#6, %gather3A_664 : vector<16xf32>
      %iota3A_666 = tpu.iota {dimensions = array<i32: 0>} : vector<16xi32>
      %add3A_667 = arith.constant 4 : i32
      %add3A_668 = vector.broadcast %add3A_667 : i32 to vector<16xi32>
      %add3A_669 = arith.addi %iota3A_666, %add3A_668 : vector<16xi32>
      %and3A_670 = arith.constant 15 : i32
      %and3A_671 = vector.broadcast %and3A_670 : i32 to vector<16xi32>
      %and3A_672 = arith.andi %add3A_669, %and3A_671 : vector<16xi32>
      %reshape3A_673 = vector.shape_cast %and3A_672 : vector<16xi32> to vector<16x1xi32>
      %gather3A_674 = vector.shape_cast %reshape3A_673 : vector<16x1xi32> to vector<16xi32>
      %gather3A_675 = tpu.dynamic_gather %add3A_665[%gather3A_674] in [0] : vector<16xf32>, vector<16xi32> -> vector<16xf32>
      %add3A_676 = arith.addf %add3A_665, %gather3A_675 : vector<16xf32>
      %iota3A_677 = tpu.iota {dimensions = array<i32: 0>} : vector<16xi32>
      %add3A_678 = arith.constant 2 : i32
      %add3A_679 = vector.broadcast %add3A_678 : i32 to vector<16xi32>
      %add3A_680 = arith.addi %iota3A_677, %add3A_679 : vector<16xi32>
      %and3A_681 = arith.constant 15 : i32
      %and3A_682 = vector.broadcast %and3A_681 : i32 to vector<16xi32>
      %and3A_683 = arith.andi %add3A_680, %and3A_682 : vector<16xi32>
      %reshape3A_684 = vector.shape_cast %and3A_683 : vector<16xi32> to vector<16x1xi32>
      %gather3A_685 = vector.shape_cast %reshape3A_684 : vector<16x1xi32> to vector<16xi32>
      %gather3A_686 = tpu.dynamic_gather %add3A_676[%gather3A_685] in [0] : vector<16xf32>, vector<16xi32> -> vector<16xf32>
      %add3A_687 = arith.addf %add3A_676, %gather3A_686 : vector<16xf32>
      %iota3A_688 = tpu.iota {dimensions = array<i32: 0>} : vector<16xi32>
      %add3A_689 = arith.constant 1 : i32
      %add3A_690 = vector.broadcast %add3A_689 : i32 to vector<16xi32>
      %add3A_691 = arith.addi %iota3A_688, %add3A_690 : vector<16xi32>
      %and3A_692 = arith.constant 15 : i32
      %and3A_693 = vector.broadcast %and3A_692 : i32 to vector<16xi32>
      %and3A_694 = arith.andi %add3A_691, %and3A_693 : vector<16xi32>
      %reshape3A_695 = vector.shape_cast %and3A_694 : vector<16xi32> to vector<16x1xi32>
      %gather3A_696 = vector.shape_cast %reshape3A_695 : vector<16x1xi32> to vector<16xi32>
      %gather3A_697 = tpu.dynamic_gather %add3A_687[%gather3A_696] in [0] : vector<16xf32>, vector<16xi32> -> vector<16xf32>
      %add3A_698 = arith.addf %add3A_687, %gather3A_697 : vector<16xf32>
      %slice3A_699 = vector.extract_strided_slice %add3A_698 {offsets = [0], sizes = [1], strides = [1]} : vector<16xf32> to vector<1xf32>
      %squeeze3A_700 = vector.extract %slice3A_699[0] : f32 from vector<1xf32>
      %slice3A_701 = vector.extract_strided_slice %get3A_25 {offsets = [6], sizes = [1], strides = [1]} : vector<16xf32> to vector<1xf32>
      %squeeze3A_702 = vector.extract %slice3A_701[0] : f32 from vector<1xf32>
      %gt3A_703 = arith.cmpf ogt, %squeeze3A_700, %squeeze3A_702 : f32
      %jit3A_704 = arith.constant 2 : i32
      %jit3A_705 = arith.constant 0 : i32
      %select_n3A_706 = arith.select %gt3A_703, %jit3A_704, %jit3A_705 : i32
      %add3A_707 = arith.addi %add3A_601, %select_n3A_706 : i32
      %iota3A_708 = tpu.iota {dimensions = array<i32: 0>} : vector<16xi32>
      %add3A_709 = arith.constant 8 : i32
      %add3A_710 = vector.broadcast %add3A_709 : i32 to vector<16xi32>
      %add3A_711 = arith.addi %iota3A_708, %add3A_710 : vector<16xi32>
      %and3A_712 = arith.constant 15 : i32
      %and3A_713 = vector.broadcast %and3A_712 : i32 to vector<16xi32>
      %and3A_714 = arith.andi %add3A_711, %and3A_713 : vector<16xi32>
      %reshape3A_715 = vector.shape_cast %and3A_714 : vector<16xi32> to vector<16x1xi32>
      %gather3A_716 = vector.shape_cast %reshape3A_715 : vector<16x1xi32> to vector<16xi32>
      %gather3A_717 = tpu.dynamic_gather %scan3A_22#14[%gather3A_716] in [0] : vector<16xf32>, vector<16xi32> -> vector<16xf32>
      %add3A_718 = arith.addf %scan3A_22#14, %gather3A_717 : vector<16xf32>
      %iota3A_719 = tpu.iota {dimensions = array<i32: 0>} : vector<16xi32>
      %add3A_720 = arith.constant 4 : i32
      %add3A_721 = vector.broadcast %add3A_720 : i32 to vector<16xi32>
      %add3A_722 = arith.addi %iota3A_719, %add3A_721 : vector<16xi32>
      %and3A_723 = arith.constant 15 : i32
      %and3A_724 = vector.broadcast %and3A_723 : i32 to vector<16xi32>
      %and3A_725 = arith.andi %add3A_722, %and3A_724 : vector<16xi32>
      %reshape3A_726 = vector.shape_cast %and3A_725 : vector<16xi32> to vector<16x1xi32>
      %gather3A_727 = vector.shape_cast %reshape3A_726 : vector<16x1xi32> to vector<16xi32>
      %gather3A_728 = tpu.dynamic_gather %add3A_718[%gather3A_727] in [0] : vector<16xf32>, vector<16xi32> -> vector<16xf32>
      %add3A_729 = arith.addf %add3A_718, %gather3A_728 : vector<16xf32>
      %iota3A_730 = tpu.iota {dimensions = array<i32: 0>} : vector<16xi32>
      %add3A_731 = arith.constant 2 : i32
      %add3A_732 = vector.broadcast %add3A_731 : i32 to vector<16xi32>
      %add3A_733 = arith.addi %iota3A_730, %add3A_732 : vector<16xi32>
      %and3A_734 = arith.constant 15 : i32
      %and3A_735 = vector.broadcast %and3A_734 : i32 to vector<16xi32>
      %and3A_736 = arith.andi %add3A_733, %and3A_735 : vector<16xi32>
      %reshape3A_737 = vector.shape_cast %and3A_736 : vector<16xi32> to vector<16x1xi32>
      %gather3A_738 = vector.shape_cast %reshape3A_737 : vector<16x1xi32> to vector<16xi32>
      %gather3A_739 = tpu.dynamic_gather %add3A_729[%gather3A_738] in [0] : vector<16xf32>, vector<16xi32> -> vector<16xf32>
      %add3A_740 = arith.addf %add3A_729, %gather3A_739 : vector<16xf32>
      %iota3A_741 = tpu.iota {dimensions = array<i32: 0>} : vector<16xi32>
      %add3A_742 = arith.constant 1 : i32
      %add3A_743 = vector.broadcast %add3A_742 : i32 to vector<16xi32>
      %add3A_744 = arith.addi %iota3A_741, %add3A_743 : vector<16xi32>
      %and3A_745 = arith.constant 15 : i32
      %and3A_746 = vector.broadcast %and3A_745 : i32 to vector<16xi32>
      %and3A_747 = arith.andi %add3A_744, %and3A_746 : vector<16xi32>
      %reshape3A_748 = vector.shape_cast %and3A_747 : vector<16xi32> to vector<16x1xi32>
      %gather3A_749 = vector.shape_cast %reshape3A_748 : vector<16x1xi32> to vector<16xi32>
      %gather3A_750 = tpu.dynamic_gather %add3A_740[%gather3A_749] in [0] : vector<16xf32>, vector<16xi32> -> vector<16xf32>
      %add3A_751 = arith.addf %add3A_740, %gather3A_750 : vector<16xf32>
      %slice3A_752 = vector.extract_strided_slice %add3A_751 {offsets = [0], sizes = [1], strides = [1]} : vector<16xf32> to vector<1xf32>
      %squeeze3A_753 = vector.extract %slice3A_752[0] : f32 from vector<1xf32>
      %slice3A_754 = vector.extract_strided_slice %get3A_25 {offsets = [14], sizes = [1], strides = [1]} : vector<16xf32> to vector<1xf32>
      %squeeze3A_755 = vector.extract %slice3A_754[0] : f32 from vector<1xf32>
      %gt3A_756 = arith.cmpf ogt, %squeeze3A_753, %squeeze3A_755 : f32
      %jit3A_757 = arith.constant 2 : i32
      %jit3A_758 = arith.constant 0 : i32
      %select_n3A_759 = arith.select %gt3A_756, %jit3A_757, %jit3A_758 : i32
      %add3A_760 = arith.addi %add3A_654, %select_n3A_759 : i32
      %iota3A_761 = tpu.iota {dimensions = array<i32: 0>} : vector<16xi32>
      %add3A_762 = arith.constant 8 : i32
      %add3A_763 = vector.broadcast %add3A_762 : i32 to vector<16xi32>
      %add3A_764 = arith.addi %iota3A_761, %add3A_763 : vector<16xi32>
      %and3A_765 = arith.constant 15 : i32
      %and3A_766 = vector.broadcast %and3A_765 : i32 to vector<16xi32>
      %and3A_767 = arith.andi %add3A_764, %and3A_766 : vector<16xi32>
      %reshape3A_768 = vector.shape_cast %and3A_767 : vector<16xi32> to vector<16x1xi32>
      %gather3A_769 = vector.shape_cast %reshape3A_768 : vector<16x1xi32> to vector<16xi32>
      %gather3A_770 = tpu.dynamic_gather %scan3A_22#7[%gather3A_769] in [0] : vector<16xf32>, vector<16xi32> -> vector<16xf32>
      %add3A_771 = arith.addf %scan3A_22#7, %gather3A_770 : vector<16xf32>
      %iota3A_772 = tpu.iota {dimensions = array<i32: 0>} : vector<16xi32>
      %add3A_773 = arith.constant 4 : i32
      %add3A_774 = vector.broadcast %add3A_773 : i32 to vector<16xi32>
      %add3A_775 = arith.addi %iota3A_772, %add3A_774 : vector<16xi32>
      %and3A_776 = arith.constant 15 : i32
      %and3A_777 = vector.broadcast %and3A_776 : i32 to vector<16xi32>
      %and3A_778 = arith.andi %add3A_775, %and3A_777 : vector<16xi32>
      %reshape3A_779 = vector.shape_cast %and3A_778 : vector<16xi32> to vector<16x1xi32>
      %gather3A_780 = vector.shape_cast %reshape3A_779 : vector<16x1xi32> to vector<16xi32>
      %gather3A_781 = tpu.dynamic_gather %add3A_771[%gather3A_780] in [0] : vector<16xf32>, vector<16xi32> -> vector<16xf32>
      %add3A_782 = arith.addf %add3A_771, %gather3A_781 : vector<16xf32>
      %iota3A_783 = tpu.iota {dimensions = array<i32: 0>} : vector<16xi32>
      %add3A_784 = arith.constant 2 : i32
      %add3A_785 = vector.broadcast %add3A_784 : i32 to vector<16xi32>
      %add3A_786 = arith.addi %iota3A_783, %add3A_785 : vector<16xi32>
      %and3A_787 = arith.constant 15 : i32
      %and3A_788 = vector.broadcast %and3A_787 : i32 to vector<16xi32>
      %and3A_789 = arith.andi %add3A_786, %and3A_788 : vector<16xi32>
      %reshape3A_790 = vector.shape_cast %and3A_789 : vector<16xi32> to vector<16x1xi32>
      %gather3A_791 = vector.shape_cast %reshape3A_790 : vector<16x1xi32> to vector<16xi32>
      %gather3A_792 = tpu.dynamic_gather %add3A_782[%gather3A_791] in [0] : vector<16xf32>, vector<16xi32> -> vector<16xf32>
      %add3A_793 = arith.addf %add3A_782, %gather3A_792 : vector<16xf32>
      %iota3A_794 = tpu.iota {dimensions = array<i32: 0>} : vector<16xi32>
      %add3A_795 = arith.constant 1 : i32
      %add3A_796 = vector.broadcast %add3A_795 : i32 to vector<16xi32>
      %add3A_797 = arith.addi %iota3A_794, %add3A_796 : vector<16xi32>
      %and3A_798 = arith.constant 15 : i32
      %and3A_799 = vector.broadcast %and3A_798 : i32 to vector<16xi32>
      %and3A_800 = arith.andi %add3A_797, %and3A_799 : vector<16xi32>
      %reshape3A_801 = vector.shape_cast %and3A_800 : vector<16xi32> to vector<16x1xi32>
      %gather3A_802 = vector.shape_cast %reshape3A_801 : vector<16x1xi32> to vector<16xi32>
      %gather3A_803 = tpu.dynamic_gather %add3A_793[%gather3A_802] in [0] : vector<16xf32>, vector<16xi32> -> vector<16xf32>
      %add3A_804 = arith.addf %add3A_793, %gather3A_803 : vector<16xf32>
      %slice3A_805 = vector.extract_strided_slice %add3A_804 {offsets = [0], sizes = [1], strides = [1]} : vector<16xf32> to vector<1xf32>
      %squeeze3A_806 = vector.extract %slice3A_805[0] : f32 from vector<1xf32>
      %slice3A_807 = vector.extract_strided_slice %get3A_25 {offsets = [7], sizes = [1], strides = [1]} : vector<16xf32> to vector<1xf32>
      %squeeze3A_808 = vector.extract %slice3A_807[0] : f32 from vector<1xf32>
      %gt3A_809 = arith.cmpf ogt, %squeeze3A_806, %squeeze3A_808 : f32
      %jit3A_810 = arith.constant 1 : i32
      %jit3A_811 = arith.constant 0 : i32
      %select_n3A_812 = arith.select %gt3A_809, %jit3A_810, %jit3A_811 : i32
      %add3A_813 = arith.addi %add3A_707, %select_n3A_812 : i32
      %iota3A_814 = tpu.iota {dimensions = array<i32: 0>} : vector<16xi32>
      %add3A_815 = arith.constant 8 : i32
      %add3A_816 = vector.broadcast %add3A_815 : i32 to vector<16xi32>
      %add3A_817 = arith.addi %iota3A_814, %add3A_816 : vector<16xi32>
      %and3A_818 = arith.constant 15 : i32
      %and3A_819 = vector.broadcast %and3A_818 : i32 to vector<16xi32>
      %and3A_820 = arith.andi %add3A_817, %and3A_819 : vector<16xi32>
      %reshape3A_821 = vector.shape_cast %and3A_820 : vector<16xi32> to vector<16x1xi32>
      %gather3A_822 = vector.shape_cast %reshape3A_821 : vector<16x1xi32> to vector<16xi32>
      %gather3A_823 = tpu.dynamic_gather %scan3A_22#15[%gather3A_822] in [0] : vector<16xf32>, vector<16xi32> -> vector<16xf32>
      %add3A_824 = arith.addf %scan3A_22#15, %gather3A_823 : vector<16xf32>
      %iota3A_825 = tpu.iota {dimensions = array<i32: 0>} : vector<16xi32>
      %add3A_826 = arith.constant 4 : i32
      %add3A_827 = vector.broadcast %add3A_826 : i32 to vector<16xi32>
      %add3A_828 = arith.addi %iota3A_825, %add3A_827 : vector<16xi32>
      %and3A_829 = arith.constant 15 : i32
      %and3A_830 = vector.broadcast %and3A_829 : i32 to vector<16xi32>
      %and3A_831 = arith.andi %add3A_828, %and3A_830 : vector<16xi32>
      %reshape3A_832 = vector.shape_cast %and3A_831 : vector<16xi32> to vector<16x1xi32>
      %gather3A_833 = vector.shape_cast %reshape3A_832 : vector<16x1xi32> to vector<16xi32>
      %gather3A_834 = tpu.dynamic_gather %add3A_824[%gather3A_833] in [0] : vector<16xf32>, vector<16xi32> -> vector<16xf32>
      %add3A_835 = arith.addf %add3A_824, %gather3A_834 : vector<16xf32>
      %iota3A_836 = tpu.iota {dimensions = array<i32: 0>} : vector<16xi32>
      %add3A_837 = arith.constant 2 : i32
      %add3A_838 = vector.broadcast %add3A_837 : i32 to vector<16xi32>
      %add3A_839 = arith.addi %iota3A_836, %add3A_838 : vector<16xi32>
      %and3A_840 = arith.constant 15 : i32
      %and3A_841 = vector.broadcast %and3A_840 : i32 to vector<16xi32>
      %and3A_842 = arith.andi %add3A_839, %and3A_841 : vector<16xi32>
      %reshape3A_843 = vector.shape_cast %and3A_842 : vector<16xi32> to vector<16x1xi32>
      %gather3A_844 = vector.shape_cast %reshape3A_843 : vector<16x1xi32> to vector<16xi32>
      %gather3A_845 = tpu.dynamic_gather %add3A_835[%gather3A_844] in [0] : vector<16xf32>, vector<16xi32> -> vector<16xf32>
      %add3A_846 = arith.addf %add3A_835, %gather3A_845 : vector<16xf32>
      %iota3A_847 = tpu.iota {dimensions = array<i32: 0>} : vector<16xi32>
      %add3A_848 = arith.constant 1 : i32
      %add3A_849 = vector.broadcast %add3A_848 : i32 to vector<16xi32>
      %add3A_850 = arith.addi %iota3A_847, %add3A_849 : vector<16xi32>
      %and3A_851 = arith.constant 15 : i32
      %and3A_852 = vector.broadcast %and3A_851 : i32 to vector<16xi32>
      %and3A_853 = arith.andi %add3A_850, %and3A_852 : vector<16xi32>
      %reshape3A_854 = vector.shape_cast %and3A_853 : vector<16xi32> to vector<16x1xi32>
      %gather3A_855 = vector.shape_cast %reshape3A_854 : vector<16x1xi32> to vector<16xi32>
      %gather3A_856 = tpu.dynamic_gather %add3A_846[%gather3A_855] in [0] : vector<16xf32>, vector<16xi32> -> vector<16xf32>
      %add3A_857 = arith.addf %add3A_846, %gather3A_856 : vector<16xf32>
      %slice3A_858 = vector.extract_strided_slice %add3A_857 {offsets = [0], sizes = [1], strides = [1]} : vector<16xf32> to vector<1xf32>
      %squeeze3A_859 = vector.extract %slice3A_858[0] : f32 from vector<1xf32>
      %slice3A_860 = vector.extract_strided_slice %get3A_25 {offsets = [15], sizes = [1], strides = [1]} : vector<16xf32> to vector<1xf32>
      %squeeze3A_861 = vector.extract %slice3A_860[0] : f32 from vector<1xf32>
      %gt3A_862 = arith.cmpf ogt, %squeeze3A_859, %squeeze3A_861 : f32
      %jit3A_863 = arith.constant 1 : i32
      %jit3A_864 = arith.constant 0 : i32
      %select_n3A_865 = arith.select %gt3A_862, %jit3A_863, %jit3A_864 : i32
      %add3A_866 = arith.addi %add3A_760, %select_n3A_865 : i32
      %mul3A = arith.constant 128 : i32
      %mul3A_867 = arith.muli %and3A_3, %mul3A : i32
      %multiple_of3A = tpu.assume_multiple %mul3A_867, 128 : i32
      %mul3A_868 = arith.constant 32 : i32
      %mul3A_869 = arith.muli %arg1, %mul3A_868 : i32
      %multiple_of3A_870 = tpu.assume_multiple %mul3A_869, 32 : i32
      %shift_right_arithmetic3A_871 = arith.constant 3 : i32
      %shift_right_arithmetic3A_872 = arith.shrsi %add3A_813, %shift_right_arithmetic3A_871 : i32
      %and3A_873 = arith.constant 7 : i32
      %and3A_874 = arith.andi %add3A_813, %and3A_873 : i32
      %dma_start3A_875 = arith.constant 0 : i32
      %dma_start3A_876 = arith.constant 0 : i32
      %dma_start3A_877 = tpu.memref_slice %arg16[%dma_start3A_875, %dma_start3A_876] : memref<129x128xf32, #tpu.memory_space<vmem>> -> memref<72x128xf32, #tpu.memory_space<vmem>>
      %dma_start3A_878 = arith.constant 0 : i32
      %dma_start3A_879 = tpu.memref_slice %arg8[%multiple_of3A, %shift_right_arithmetic3A_872, %shift_right_arithmetic3A_2, %and3A_874, %dma_start3A_878] : memref<513x32x4x8x128xf32, #tpu.memory_space<hbm>> -> memref<72x1x1x1x128xf32, #tpu.memory_space<hbm>>
      %dma_start3A_880 = tpu.memref_squeeze %dma_start3A_879 : memref<72x1x1x1x128xf32, #tpu.memory_space<hbm>> -> memref<72x128xf32, #tpu.memory_space<hbm>>
      %dma_start3A_881 = arith.constant 0 : i32
      %dma_start3A_882 = arith.constant 0 : i32
      %dma_start3A_883 = tpu.memref_slice %arg16[%dma_start3A_881, %dma_start3A_882] : memref<129x128xf32, #tpu.memory_space<vmem>> -> memref<72x128xf32, #tpu.memory_space<vmem>>
      %dma_start3A_884 = arith.constant 0 : i32
      %dma_start3A_885 = tpu.memref_slice %arg8[%multiple_of3A, %shift_right_arithmetic3A_872, %shift_right_arithmetic3A_2, %and3A_874, %dma_start3A_884] : memref<513x32x4x8x128xf32, #tpu.memory_space<hbm>> -> memref<72x1x1x1x128xf32, #tpu.memory_space<hbm>>
      %dma_start3A_886 = tpu.memref_squeeze %dma_start3A_885 : memref<72x1x1x1x128xf32, #tpu.memory_space<hbm>> -> memref<72x128xf32, #tpu.memory_space<hbm>>
      tpu.enqueue_dma source(%dma_start3A_886 : memref<72x128xf32, #tpu.memory_space<hbm>>) target(%dma_start3A_883 : memref<72x128xf32, #tpu.memory_space<vmem>>) target_semaphore(%arg25 : memref<!tpu.dma_semaphore, #tpu.memory_space<semaphore_mem>>)
      %add3A_887 = arith.constant 72 : i32
      %add3A_888 = arith.addi %multiple_of3A, %add3A_887 : i32
      %shift_right_arithmetic3A_889 = arith.constant 3 : i32
      %shift_right_arithmetic3A_890 = arith.shrsi %add3A_813, %shift_right_arithmetic3A_889 : i32
      %and3A_891 = arith.constant 7 : i32
      %and3A_892 = arith.andi %add3A_813, %and3A_891 : i32
      %dma_start3A_893 = arith.constant 72 : i32
      %dma_start3A_894 = arith.constant 0 : i32
      %dma_start3A_895 = tpu.memref_slice %arg16[%dma_start3A_893, %dma_start3A_894] : memref<129x128xf32, #tpu.memory_space<vmem>> -> memref<57x128xf32, #tpu.memory_space<vmem>>
      %dma_start3A_896 = arith.constant 0 : i32
      %dma_start3A_897 = tpu.memref_slice %arg8[%add3A_888, %shift_right_arithmetic3A_890, %shift_right_arithmetic3A_2, %and3A_892, %dma_start3A_896] : memref<513x32x4x8x128xf32, #tpu.memory_space<hbm>> -> memref<57x1x1x1x128xf32, #tpu.memory_space<hbm>>
      %dma_start3A_898 = tpu.memref_squeeze %dma_start3A_897 : memref<57x1x1x1x128xf32, #tpu.memory_space<hbm>> -> memref<57x128xf32, #tpu.memory_space<hbm>>
      %dma_start3A_899 = arith.constant 72 : i32
      %dma_start3A_900 = arith.constant 0 : i32
      %dma_start3A_901 = tpu.memref_slice %arg16[%dma_start3A_899, %dma_start3A_900] : memref<129x128xf32, #tpu.memory_space<vmem>> -> memref<57x128xf32, #tpu.memory_space<vmem>>
      %dma_start3A_902 = arith.constant 0 : i32
      %dma_start3A_903 = tpu.memref_slice %arg8[%add3A_888, %shift_right_arithmetic3A_890, %shift_right_arithmetic3A_2, %and3A_892, %dma_start3A_902] : memref<513x32x4x8x128xf32, #tpu.memory_space<hbm>> -> memref<57x1x1x1x128xf32, #tpu.memory_space<hbm>>
      %dma_start3A_904 = tpu.memref_squeeze %dma_start3A_903 : memref<57x1x1x1x128xf32, #tpu.memory_space<hbm>> -> memref<57x128xf32, #tpu.memory_space<hbm>>
      tpu.enqueue_dma source(%dma_start3A_904 : memref<57x128xf32, #tpu.memory_space<hbm>>) target(%dma_start3A_901 : memref<57x128xf32, #tpu.memory_space<vmem>>) target_semaphore(%arg26 : memref<!tpu.dma_semaphore, #tpu.memory_space<semaphore_mem>>)
      %shift_right_arithmetic3A_905 = arith.constant 3 : i32
      %shift_right_arithmetic3A_906 = arith.shrsi %add3A_866, %shift_right_arithmetic3A_905 : i32
      %and3A_907 = arith.constant 7 : i32
      %and3A_908 = arith.andi %add3A_866, %and3A_907 : i32
      %dma_start3A_909 = arith.constant 0 : i32
      %dma_start3A_910 = arith.constant 0 : i32
      %dma_start3A_911 = tpu.memref_slice %arg9[%multiple_of3A_870, %shift_right_arithmetic3A_906, %dma_start3A_909, %and3A_908, %dma_start3A_910] : memref<513x32x1x8x128xf32, #tpu.memory_space<hbm>> -> memref<33x1x1x1x128xf32, #tpu.memory_space<hbm>>
      %dma_start3A_912 = tpu.memref_squeeze %dma_start3A_911 : memref<33x1x1x1x128xf32, #tpu.memory_space<hbm>> -> memref<33x128xf32, #tpu.memory_space<hbm>>
      %dma_start3A_913 = arith.constant 0 : i32
      %dma_start3A_914 = tpu.memref_slice %arg9[%multiple_of3A_870, %shift_right_arithmetic3A_906, %dma_start3A_909, %and3A_908, %dma_start3A_913] : memref<513x32x1x8x128xf32, #tpu.memory_space<hbm>> -> memref<33x1x1x1x128xf32, #tpu.memory_space<hbm>>
      %dma_start3A_915 = tpu.memref_squeeze %dma_start3A_914 : memref<33x1x1x1x128xf32, #tpu.memory_space<hbm>> -> memref<33x128xf32, #tpu.memory_space<hbm>>
      tpu.enqueue_dma source(%dma_start3A_915 : memref<33x128xf32, #tpu.memory_space<hbm>>) target(%arg17 : memref<33x128xf32, #tpu.memory_space<vmem>>) target_semaphore(%arg27 : memref<!tpu.dma_semaphore, #tpu.memory_space<semaphore_mem>>)
      %get3A_916 = arith.constant 0 : index
      %get3A_917 = tpu.vector_load %arg15[%get3A_916] {strides = array<i32>} : memref<16xf32, #tpu.memory_space<vmem>>, vector<16xf32>,
      %get3A_918 = vector.shape_cast %get3A_917 : vector<16xf32> to vector<16xf32>
      %slice3A_919 = vector.extract_strided_slice %get3A_918 {offsets = [0], sizes = [1], strides = [1]} : vector<16xf32> to vector<1xf32>
      %squeeze3A_920 = vector.extract %slice3A_919[0] : f32 from vector<1xf32>
      %slice3A_921 = vector.extract_strided_slice %get3A_918 {offsets = [1], sizes = [1], strides = [1]} : vector<16xf32> to vector<1xf32>
      %squeeze3A_922 = vector.extract %slice3A_921[0] : f32 from vector<1xf32>
      %dma_wait3A_923 = arith.constant 0 : i32
      %dma_wait3A_924 = arith.constant 0 : i32
      %dma_wait3A_925 = tpu.memref_slice %arg16[%dma_wait3A_923, %dma_wait3A_924] : memref<129x128xf32, #tpu.memory_space<vmem>> -> memref<72x128xf32, #tpu.memory_space<vmem>>
      %dma_wait3A_926 = arith.constant 0 : i32
      %dma_wait3A_927 = tpu.memref_slice %arg8[%multiple_of3A, %shift_right_arithmetic3A_872, %shift_right_arithmetic3A_2, %and3A_874, %dma_wait3A_926] : memref<513x32x4x8x128xf32, #tpu.memory_space<hbm>> -> memref<72x1x1x1x128xf32, #tpu.memory_space<hbm>>
      %dma_wait3A_928 = tpu.memref_squeeze %dma_wait3A_927 : memref<72x1x1x1x128xf32, #tpu.memory_space<hbm>> -> memref<72x128xf32, #tpu.memory_space<hbm>>
      %dma_wait3A_929 = arith.constant 0 : i32
      %dma_wait3A_930 = arith.constant 0 : i32
      %dma_wait3A_931 = tpu.memref_slice %arg16[%dma_wait3A_929, %dma_wait3A_930] : memref<129x128xf32, #tpu.memory_space<vmem>> -> memref<72x128xf32, #tpu.memory_space<vmem>>
      %dma_wait3A_932 = arith.constant 0 : i32
      %dma_wait3A_933 = tpu.memref_slice %arg8[%multiple_of3A, %shift_right_arithmetic3A_872, %shift_right_arithmetic3A_2, %and3A_874, %dma_wait3A_932] : memref<513x32x4x8x128xf32, #tpu.memory_space<hbm>> -> memref<72x1x1x1x128xf32, #tpu.memory_space<hbm>>
      %dma_wait3A_934 = tpu.memref_squeeze %dma_wait3A_933 : memref<72x1x1x1x128xf32, #tpu.memory_space<hbm>> -> memref<72x128xf32, #tpu.memory_space<hbm>>
      tpu.wait_dma2 semaphore(%arg25 : memref<!tpu.dma_semaphore, #tpu.memory_space<semaphore_mem>>) src(%dma_wait3A_934 : memref<72x128xf32, #tpu.memory_space<hbm>>) dst(%dma_wait3A_931 : memref<72x128xf32, #tpu.memory_space<vmem>>)
      %eq3A = arith.constant 0 : i32
      %eq3A_935 = arith.cmpi eq, %and3A_3, %eq3A : i32
      %jit3A_936 = arith.constant 0.000000e+00 : f32
      %select_n3A_937 = arith.select %eq3A_935, %squeeze3A_920, %jit3A_936 : f32
      %get3A_938 = arith.constant 0 : i32
      %get3A_939 = arith.index_cast %get3A_938 : i32 to index
      %get3A_940 = arith.constant 0 : index
      %get3A_941 = tpu.vector_load %arg16[%get3A_939, %get3A_940] {strides = array<i32>} : memref<129x128xf32, #tpu.memory_space<vmem>>, vector<1x16xf32>,
      %get3A_942 = vector.shape_cast %get3A_941 : vector<1x16xf32> to vector<16xf32>
      %mul3A_943 = vector.broadcast %select_n3A_937 : f32 to vector<16xf32>
      %mul3A_944 = arith.mulf %mul3A_943, %get3A_942 : vector<16xf32>
      %get3A_945 = arith.constant 0 : i32
      %get3A_946 = arith.index_cast %get3A_945 : i32 to index
      %get3A_947 = arith.constant 16 : index
      %get3A_948 = tpu.vector_load %arg16[%get3A_946, %get3A_947] {strides = array<i32>} : memref<129x128xf32, #tpu.memory_space<vmem>>, vector<1x16xf32>,
      %get3A_949 = vector.shape_cast %get3A_948 : vector<1x16xf32> to vector<16xf32>
      %mul3A_950 = vector.broadcast %select_n3A_937 : f32 to vector<16xf32>
      %mul3A_951 = arith.mulf %mul3A_950, %get3A_949 : vector<16xf32>
      %get3A_952 = arith.constant 0 : i32
      %get3A_953 = arith.index_cast %get3A_952 : i32 to index
      %get3A_954 = arith.constant 32 : index
      %get3A_955 = tpu.vector_load %arg16[%get3A_953, %get3A_954] {strides = array<i32>} : memref<129x128xf32, #tpu.memory_space<vmem>>, vector<1x16xf32>,
      %get3A_956 = vector.shape_cast %get3A_955 : vector<1x16xf32> to vector<16xf32>
      %mul3A_957 = vector.broadcast %select_n3A_937 : f32 to vector<16xf32>
      %mul3A_958 = arith.mulf %mul3A_957, %get3A_956 : vector<16xf32>
      %get3A_959 = arith.constant 0 : i32
      %get3A_960 = arith.index_cast %get3A_959 : i32 to index
      %get3A_961 = arith.constant 48 : index
      %get3A_962 = tpu.vector_load %arg16[%get3A_960, %get3A_961] {strides = array<i32>} : memref<129x128xf32, #tpu.memory_space<vmem>>, vector<1x16xf32>,
      %get3A_963 = vector.shape_cast %get3A_962 : vector<1x16xf32> to vector<16xf32>
      %mul3A_964 = vector.broadcast %select_n3A_937 : f32 to vector<16xf32>
      %mul3A_965 = arith.mulf %mul3A_964, %get3A_963 : vector<16xf32>
      %get3A_966 = arith.constant 0 : i32
      %get3A_967 = arith.index_cast %get3A_966 : i32 to index
      %get3A_968 = arith.constant 64 : index
      %get3A_969 = tpu.vector_load %arg16[%get3A_967, %get3A_968] {strides = array<i32>} : memref<129x128xf32, #tpu.memory_space<vmem>>, vector<1x16xf32>,
      %get3A_970 = vector.shape_cast %get3A_969 : vector<1x16xf32> to vector<16xf32>
      %mul3A_971 = vector.broadcast %select_n3A_937 : f32 to vector<16xf32>
      %mul3A_972 = arith.mulf %mul3A_971, %get3A_970 : vector<16xf32>
      %get3A_973 = arith.constant 0 : i32
      %get3A_974 = arith.index_cast %get3A_973 : i32 to index
      %get3A_975 = arith.constant 80 : index
      %get3A_976 = tpu.vector_load %arg16[%get3A_974, %get3A_975] {strides = array<i32>} : memref<129x128xf32, #tpu.memory_space<vmem>>, vector<1x16xf32>,
      %get3A_977 = vector.shape_cast %get3A_976 : vector<1x16xf32> to vector<16xf32>
      %mul3A_978 = vector.broadcast %select_n3A_937 : f32 to vector<16xf32>
      %mul3A_979 = arith.mulf %mul3A_978, %get3A_977 : vector<16xf32>
      %get3A_980 = arith.constant 0 : i32
      %get3A_981 = arith.index_cast %get3A_980 : i32 to index
      %get3A_982 = arith.constant 96 : index
      %get3A_983 = tpu.vector_load %arg16[%get3A_981, %get3A_982] {strides = array<i32>} : memref<129x128xf32, #tpu.memory_space<vmem>>, vector<1x16xf32>,
      %get3A_984 = vector.shape_cast %get3A_983 : vector<1x16xf32> to vector<16xf32>
      %mul3A_985 = vector.broadcast %select_n3A_937 : f32 to vector<16xf32>
      %mul3A_986 = arith.mulf %mul3A_985, %get3A_984 : vector<16xf32>
      %get3A_987 = arith.constant 0 : i32
      %get3A_988 = arith.index_cast %get3A_987 : i32 to index
      %get3A_989 = arith.constant 112 : index
      %get3A_990 = tpu.vector_load %arg16[%get3A_988, %get3A_989] {strides = array<i32>} : memref<129x128xf32, #tpu.memory_space<vmem>>, vector<1x16xf32>,
      %get3A_991 = vector.shape_cast %get3A_990 : vector<1x16xf32> to vector<16xf32>
      %mul3A_992 = vector.broadcast %select_n3A_937 : f32 to vector<16xf32>
      %mul3A_993 = arith.mulf %mul3A_992, %get3A_991 : vector<16xf32>
      %scan3A_994 = arith.constant 0 : i32
      %scan3A_995 = arith.constant 4 : i32
      %scan3A_996 = arith.addi %scan3A_994, %scan3A_995 : i32
      %scan3A_997 = arith.constant 1 : i32
      %scan3A_998:8 = scf.for %scan3A_1221 = %scan3A_994 to %scan3A_996 step %scan3A_997 iter_args(%scan3A_1222 = %mul3A_944, %scan3A_1223 = %mul3A_951, %scan3A_1224 = %mul3A_958, %scan3A_1225 = %mul3A_965, %scan3A_1226 = %mul3A_972, %scan3A_1227 = %mul3A_979, %scan3A_1228 = %mul3A_986, %scan3A_1229 = %mul3A_993) -> (vector<16xf32>, vector<16xf32>, vector<16xf32>, vector<16xf32>, vector<16xf32>, vector<16xf32>, vector<16xf32>, vector<16xf32>)  : i32 {
        %mul3A_1230 = arith.constant 128 : i32
        %mul3A_1231 = arith.muli %and3A_3, %mul3A_1230 : i32
        %mul3A_1232 = arith.constant 16 : i32
        %mul3A_1233 = arith.muli %scan3A_1221, %mul3A_1232 : i32
        %add3A_1234 = arith.addi %mul3A_1231, %mul3A_1233 : i32
        %get3A_1235 = arith.index_cast %add3A_1234 : i32 to index
        %get3A_1236 = tpu.vector_load %arg11[%get3A_1235] {strides = array<i32>} : memref<512xf32, #tpu.memory_space<vmem>>, vector<16xf32>,
        %get3A_1237 = vector.shape_cast %get3A_1236 : vector<16xf32> to vector<16xf32>
        %max3A_1238 = arith.constant 1.000000e-03 : f32
        %max3A_1239 = vector.broadcast %max3A_1238 : f32 to vector<16xf32>
        %max3A_1240 = arith.maximumf %get3A_1237, %max3A_1239 : vector<16xf32>
        %min3A_1241 = arith.constant 9.990000e-01 : f32
        %min3A_1242 = vector.broadcast %min3A_1241 : f32 to vector<16xf32>
        %min3A_1243 = arith.minimumf %max3A_1240, %min3A_1242 : vector<16xf32>
        %scan3A_1244 = arith.constant 0 : i32
        %scan3A_1245 = arith.constant 16 : i32
        %scan3A_1246 = arith.addi %scan3A_1244, %scan3A_1245 : i32
        %scan3A_1247 = arith.constant 1 : i32
        %scan3A_1248:8 = scf.for %scan3A_1250 = %scan3A_1244 to %scan3A_1246 step %scan3A_1247 iter_args(%scan3A_1251 = %scan3A_1222, %scan3A_1252 = %scan3A_1223, %scan3A_1253 = %scan3A_1224, %scan3A_1254 = %scan3A_1225, %scan3A_1255 = %scan3A_1226, %scan3A_1256 = %scan3A_1227, %scan3A_1257 = %scan3A_1228, %scan3A_1258 = %scan3A_1229) -> (vector<16xf32>, vector<16xf32>, vector<16xf32>, vector<16xf32>, vector<16xf32>, vector<16xf32>, vector<16xf32>, vector<16xf32>)  : i32 {
          %broadcast_in_dim3A_1259 = vector.broadcast %scan3A_1250 : i32 to vector<16x1xi32>
          %gather3A_1260 = vector.shape_cast %broadcast_in_dim3A_1259 : vector<16x1xi32> to vector<16xi32>
          %gather3A_1261 = tpu.dynamic_gather %min3A_1243[%gather3A_1260] in [0] : vector<16xf32>, vector<16xi32> -> vector<16xf32>
          %mul3A_1262 = arith.constant 16 : i32
          %mul3A_1263 = arith.muli %scan3A_1221, %mul3A_1262 : i32
          %add3A_1264 = arith.addi %mul3A_1263, %scan3A_1250 : i32
          %add3A_1265 = arith.constant 1 : i32
          %add3A_1266 = arith.addi %add3A_1264, %add3A_1265 : i32
          %get3A_1267 = arith.index_cast %add3A_1266 : i32 to index
          %get3A_1268 = arith.constant 0 : index
          %get3A_1269 = tpu.vector_load %arg16[%get3A_1267, %get3A_1268] {strides = array<i32>} : memref<129x128xf32, #tpu.memory_space<vmem>>, vector<1x16xf32>,
          %get3A_1270 = vector.shape_cast %get3A_1269 : vector<1x16xf32> to vector<16xf32>
          %mul3A_1271 = arith.mulf %gather3A_1261, %get3A_1270 : vector<16xf32>
          %add3A_1272 = arith.addf %scan3A_1251, %mul3A_1271 : vector<16xf32>
          %get3A_1273 = arith.index_cast %add3A_1266 : i32 to index
          %get3A_1274 = arith.constant 16 : index
          %get3A_1275 = tpu.vector_load %arg16[%get3A_1273, %get3A_1274] {strides = array<i32>} : memref<129x128xf32, #tpu.memory_space<vmem>>, vector<1x16xf32>,
          %get3A_1276 = vector.shape_cast %get3A_1275 : vector<1x16xf32> to vector<16xf32>
          %mul3A_1277 = arith.mulf %gather3A_1261, %get3A_1276 : vector<16xf32>
          %add3A_1278 = arith.addf %scan3A_1252, %mul3A_1277 : vector<16xf32>
          %get3A_1279 = arith.index_cast %add3A_1266 : i32 to index
          %get3A_1280 = arith.constant 32 : index
          %get3A_1281 = tpu.vector_load %arg16[%get3A_1279, %get3A_1280] {strides = array<i32>} : memref<129x128xf32, #tpu.memory_space<vmem>>, vector<1x16xf32>,
          %get3A_1282 = vector.shape_cast %get3A_1281 : vector<1x16xf32> to vector<16xf32>
          %mul3A_1283 = arith.mulf %gather3A_1261, %get3A_1282 : vector<16xf32>
          %add3A_1284 = arith.addf %scan3A_1253, %mul3A_1283 : vector<16xf32>
          %get3A_1285 = arith.index_cast %add3A_1266 : i32 to index
          %get3A_1286 = arith.constant 48 : index
          %get3A_1287 = tpu.vector_load %arg16[%get3A_1285, %get3A_1286] {strides = array<i32>} : memref<129x128xf32, #tpu.memory_space<vmem>>, vector<1x16xf32>,
          %get3A_1288 = vector.shape_cast %get3A_1287 : vector<1x16xf32> to vector<16xf32>
          %mul3A_1289 = arith.mulf %gather3A_1261, %get3A_1288 : vector<16xf32>
          %add3A_1290 = arith.addf %scan3A_1254, %mul3A_1289 : vector<16xf32>
          %get3A_1291 = arith.index_cast %add3A_1266 : i32 to index
          %get3A_1292 = arith.constant 64 : index
          %get3A_1293 = tpu.vector_load %arg16[%get3A_1291, %get3A_1292] {strides = array<i32>} : memref<129x128xf32, #tpu.memory_space<vmem>>, vector<1x16xf32>,
          %get3A_1294 = vector.shape_cast %get3A_1293 : vector<1x16xf32> to vector<16xf32>
          %mul3A_1295 = arith.mulf %gather3A_1261, %get3A_1294 : vector<16xf32>
          %add3A_1296 = arith.addf %scan3A_1255, %mul3A_1295 : vector<16xf32>
          %get3A_1297 = arith.index_cast %add3A_1266 : i32 to index
          %get3A_1298 = arith.constant 80 : index
          %get3A_1299 = tpu.vector_load %arg16[%get3A_1297, %get3A_1298] {strides = array<i32>} : memref<129x128xf32, #tpu.memory_space<vmem>>, vector<1x16xf32>,
          %get3A_1300 = vector.shape_cast %get3A_1299 : vector<1x16xf32> to vector<16xf32>
          %mul3A_1301 = arith.mulf %gather3A_1261, %get3A_1300 : vector<16xf32>
          %add3A_1302 = arith.addf %scan3A_1256, %mul3A_1301 : vector<16xf32>
          %get3A_1303 = arith.index_cast %add3A_1266 : i32 to index
          %get3A_1304 = arith.constant 96 : index
          %get3A_1305 = tpu.vector_load %arg16[%get3A_1303, %get3A_1304] {strides = array<i32>} : memref<129x128xf32, #tpu.memory_space<vmem>>, vector<1x16xf32>,
          %get3A_1306 = vector.shape_cast %get3A_1305 : vector<1x16xf32> to vector<16xf32>
          %mul3A_1307 = arith.mulf %gather3A_1261, %get3A_1306 : vector<16xf32>
          %add3A_1308 = arith.addf %scan3A_1257, %mul3A_1307 : vector<16xf32>
          %get3A_1309 = arith.index_cast %add3A_1266 : i32 to index
          %get3A_1310 = arith.constant 112 : index
          %get3A_1311 = tpu.vector_load %arg16[%get3A_1309, %get3A_1310] {strides = array<i32>} : memref<129x128xf32, #tpu.memory_space<vmem>>, vector<1x16xf32>,
          %get3A_1312 = vector.shape_cast %get3A_1311 : vector<1x16xf32> to vector<16xf32>
          %mul3A_1313 = arith.mulf %gather3A_1261, %get3A_1312 : vector<16xf32>
          %add3A_1314 = arith.addf %scan3A_1258, %mul3A_1313 : vector<16xf32>
          scf.yield %add3A_1272, %add3A_1278, %add3A_1284, %add3A_1290, %add3A_1296, %add3A_1302, %add3A_1308, %add3A_1314 : vector<16xf32>, vector<16xf32>, vector<16xf32>, vector<16xf32>, vector<16xf32>, vector<16xf32>, vector<16xf32>, vector<16xf32>
        }
        %scan3A_1249 = arith.constant 16 : i32
        scf.yield %scan3A_1248#0, %scan3A_1248#1, %scan3A_1248#2, %scan3A_1248#3, %scan3A_1248#4, %scan3A_1248#5, %scan3A_1248#6, %scan3A_1248#7 : vector<16xf32>, vector<16xf32>, vector<16xf32>, vector<16xf32>, vector<16xf32>, vector<16xf32>, vector<16xf32>, vector<16xf32>
      }
      %scan3A_999 = arith.constant 4 : i32
      %dma_wait3A_1000 = arith.constant 72 : i32
      %dma_wait3A_1001 = arith.constant 0 : i32
      %dma_wait3A_1002 = tpu.memref_slice %arg16[%dma_wait3A_1000, %dma_wait3A_1001] : memref<129x128xf32, #tpu.memory_space<vmem>> -> memref<57x128xf32, #tpu.memory_space<vmem>>
      %dma_wait3A_1003 = arith.constant 0 : i32
      %dma_wait3A_1004 = tpu.memref_slice %arg8[%add3A_888, %shift_right_arithmetic3A_890, %shift_right_arithmetic3A_2, %and3A_892, %dma_wait3A_1003] : memref<513x32x4x8x128xf32, #tpu.memory_space<hbm>> -> memref<57x1x1x1x128xf32, #tpu.memory_space<hbm>>
      %dma_wait3A_1005 = tpu.memref_squeeze %dma_wait3A_1004 : memref<57x1x1x1x128xf32, #tpu.memory_space<hbm>> -> memref<57x128xf32, #tpu.memory_space<hbm>>
      %dma_wait3A_1006 = arith.constant 72 : i32
      %dma_wait3A_1007 = arith.constant 0 : i32
      %dma_wait3A_1008 = tpu.memref_slice %arg16[%dma_wait3A_1006, %dma_wait3A_1007] : memref<129x128xf32, #tpu.memory_space<vmem>> -> memref<57x128xf32, #tpu.memory_space<vmem>>
      %dma_wait3A_1009 = arith.constant 0 : i32
      %dma_wait3A_1010 = tpu.memref_slice %arg8[%add3A_888, %shift_right_arithmetic3A_890, %shift_right_arithmetic3A_2, %and3A_892, %dma_wait3A_1009] : memref<513x32x4x8x128xf32, #tpu.memory_space<hbm>> -> memref<57x1x1x1x128xf32, #tpu.memory_space<hbm>>
      %dma_wait3A_1011 = tpu.memref_squeeze %dma_wait3A_1010 : memref<57x1x1x1x128xf32, #tpu.memory_space<hbm>> -> memref<57x128xf32, #tpu.memory_space<hbm>>
      tpu.wait_dma2 semaphore(%arg26 : memref<!tpu.dma_semaphore, #tpu.memory_space<semaphore_mem>>) src(%dma_wait3A_1011 : memref<57x128xf32, #tpu.memory_space<hbm>>) dst(%dma_wait3A_1008 : memref<57x128xf32, #tpu.memory_space<vmem>>)
      %scan3A_1012 = arith.constant 4 : i32
      %scan3A_1013 = arith.constant 4 : i32
      %scan3A_1014 = arith.addi %scan3A_1012, %scan3A_1013 : i32
      %scan3A_1015 = arith.constant 1 : i32
      %scan3A_1016:8 = scf.for %scan3A_1221 = %scan3A_1012 to %scan3A_1014 step %scan3A_1015 iter_args(%scan3A_1222 = %scan3A_998#0, %scan3A_1223 = %scan3A_998#1, %scan3A_1224 = %scan3A_998#2, %scan3A_1225 = %scan3A_998#3, %scan3A_1226 = %scan3A_998#4, %scan3A_1227 = %scan3A_998#5, %scan3A_1228 = %scan3A_998#6, %scan3A_1229 = %scan3A_998#7) -> (vector<16xf32>, vector<16xf32>, vector<16xf32>, vector<16xf32>, vector<16xf32>, vector<16xf32>, vector<16xf32>, vector<16xf32>)  : i32 {
        %mul3A_1230 = arith.constant 128 : i32
        %mul3A_1231 = arith.muli %and3A_3, %mul3A_1230 : i32
        %mul3A_1232 = arith.constant 16 : i32
        %mul3A_1233 = arith.muli %scan3A_1221, %mul3A_1232 : i32
        %add3A_1234 = arith.addi %mul3A_1231, %mul3A_1233 : i32
        %get3A_1235 = arith.index_cast %add3A_1234 : i32 to index
        %get3A_1236 = tpu.vector_load %arg11[%get3A_1235] {strides = array<i32>} : memref<512xf32, #tpu.memory_space<vmem>>, vector<16xf32>,
        %get3A_1237 = vector.shape_cast %get3A_1236 : vector<16xf32> to vector<16xf32>
        %max3A_1238 = arith.constant 1.000000e-03 : f32
        %max3A_1239 = vector.broadcast %max3A_1238 : f32 to vector<16xf32>
        %max3A_1240 = arith.maximumf %get3A_1237, %max3A_1239 : vector<16xf32>
        %min3A_1241 = arith.constant 9.990000e-01 : f32
        %min3A_1242 = vector.broadcast %min3A_1241 : f32 to vector<16xf32>
        %min3A_1243 = arith.minimumf %max3A_1240, %min3A_1242 : vector<16xf32>
        %scan3A_1244 = arith.constant 0 : i32
        %scan3A_1245 = arith.constant 16 : i32
        %scan3A_1246 = arith.addi %scan3A_1244, %scan3A_1245 : i32
        %scan3A_1247 = arith.constant 1 : i32
        %scan3A_1248:8 = scf.for %scan3A_1250 = %scan3A_1244 to %scan3A_1246 step %scan3A_1247 iter_args(%scan3A_1251 = %scan3A_1222, %scan3A_1252 = %scan3A_1223, %scan3A_1253 = %scan3A_1224, %scan3A_1254 = %scan3A_1225, %scan3A_1255 = %scan3A_1226, %scan3A_1256 = %scan3A_1227, %scan3A_1257 = %scan3A_1228, %scan3A_1258 = %scan3A_1229) -> (vector<16xf32>, vector<16xf32>, vector<16xf32>, vector<16xf32>, vector<16xf32>, vector<16xf32>, vector<16xf32>, vector<16xf32>)  : i32 {
          %broadcast_in_dim3A_1259 = vector.broadcast %scan3A_1250 : i32 to vector<16x1xi32>
          %gather3A_1260 = vector.shape_cast %broadcast_in_dim3A_1259 : vector<16x1xi32> to vector<16xi32>
          %gather3A_1261 = tpu.dynamic_gather %min3A_1243[%gather3A_1260] in [0] : vector<16xf32>, vector<16xi32> -> vector<16xf32>
          %mul3A_1262 = arith.constant 16 : i32
          %mul3A_1263 = arith.muli %scan3A_1221, %mul3A_1262 : i32
          %add3A_1264 = arith.addi %mul3A_1263, %scan3A_1250 : i32
          %add3A_1265 = arith.constant 1 : i32
          %add3A_1266 = arith.addi %add3A_1264, %add3A_1265 : i32
          %get3A_1267 = arith.index_cast %add3A_1266 : i32 to index
          %get3A_1268 = arith.constant 0 : index
          %get3A_1269 = tpu.vector_load %arg16[%get3A_1267, %get3A_1268] {strides = array<i32>} : memref<129x128xf32, #tpu.memory_space<vmem>>, vector<1x16xf32>,
          %get3A_1270 = vector.shape_cast %get3A_1269 : vector<1x16xf32> to vector<16xf32>
          %mul3A_1271 = arith.mulf %gather3A_1261, %get3A_1270 : vector<16xf32>
          %add3A_1272 = arith.addf %scan3A_1251, %mul3A_1271 : vector<16xf32>
          %get3A_1273 = arith.index_cast %add3A_1266 : i32 to index
          %get3A_1274 = arith.constant 16 : index
          %get3A_1275 = tpu.vector_load %arg16[%get3A_1273, %get3A_1274] {strides = array<i32>} : memref<129x128xf32, #tpu.memory_space<vmem>>, vector<1x16xf32>,
          %get3A_1276 = vector.shape_cast %get3A_1275 : vector<1x16xf32> to vector<16xf32>
          %mul3A_1277 = arith.mulf %gather3A_1261, %get3A_1276 : vector<16xf32>
          %add3A_1278 = arith.addf %scan3A_1252, %mul3A_1277 : vector<16xf32>
          %get3A_1279 = arith.index_cast %add3A_1266 : i32 to index
          %get3A_1280 = arith.constant 32 : index
          %get3A_1281 = tpu.vector_load %arg16[%get3A_1279, %get3A_1280] {strides = array<i32>} : memref<129x128xf32, #tpu.memory_space<vmem>>, vector<1x16xf32>,
          %get3A_1282 = vector.shape_cast %get3A_1281 : vector<1x16xf32> to vector<16xf32>
          %mul3A_1283 = arith.mulf %gather3A_1261, %get3A_1282 : vector<16xf32>
          %add3A_1284 = arith.addf %scan3A_1253, %mul3A_1283 : vector<16xf32>
          %get3A_1285 = arith.index_cast %add3A_1266 : i32 to index
          %get3A_1286 = arith.constant 48 : index
          %get3A_1287 = tpu.vector_load %arg16[%get3A_1285, %get3A_1286] {strides = array<i32>} : memref<129x128xf32, #tpu.memory_space<vmem>>, vector<1x16xf32>,
          %get3A_1288 = vector.shape_cast %get3A_1287 : vector<1x16xf32> to vector<16xf32>
          %mul3A_1289 = arith.mulf %gather3A_1261, %get3A_1288 : vector<16xf32>
          %add3A_1290 = arith.addf %scan3A_1254, %mul3A_1289 : vector<16xf32>
          %get3A_1291 = arith.index_cast %add3A_1266 : i32 to index
          %get3A_1292 = arith.constant 64 : index
          %get3A_1293 = tpu.vector_load %arg16[%get3A_1291, %get3A_1292] {strides = array<i32>} : memref<129x128xf32, #tpu.memory_space<vmem>>, vector<1x16xf32>,
          %get3A_1294 = vector.shape_cast %get3A_1293 : vector<1x16xf32> to vector<16xf32>
          %mul3A_1295 = arith.mulf %gather3A_1261, %get3A_1294 : vector<16xf32>
          %add3A_1296 = arith.addf %scan3A_1255, %mul3A_1295 : vector<16xf32>
          %get3A_1297 = arith.index_cast %add3A_1266 : i32 to index
          %get3A_1298 = arith.constant 80 : index
          %get3A_1299 = tpu.vector_load %arg16[%get3A_1297, %get3A_1298] {strides = array<i32>} : memref<129x128xf32, #tpu.memory_space<vmem>>, vector<1x16xf32>,
          %get3A_1300 = vector.shape_cast %get3A_1299 : vector<1x16xf32> to vector<16xf32>
          %mul3A_1301 = arith.mulf %gather3A_1261, %get3A_1300 : vector<16xf32>
          %add3A_1302 = arith.addf %scan3A_1256, %mul3A_1301 : vector<16xf32>
          %get3A_1303 = arith.index_cast %add3A_1266 : i32 to index
          %get3A_1304 = arith.constant 96 : index
          %get3A_1305 = tpu.vector_load %arg16[%get3A_1303, %get3A_1304] {strides = array<i32>} : memref<129x128xf32, #tpu.memory_space<vmem>>, vector<1x16xf32>,
          %get3A_1306 = vector.shape_cast %get3A_1305 : vector<1x16xf32> to vector<16xf32>
          %mul3A_1307 = arith.mulf %gather3A_1261, %get3A_1306 : vector<16xf32>
          %add3A_1308 = arith.addf %scan3A_1257, %mul3A_1307 : vector<16xf32>
          %get3A_1309 = arith.index_cast %add3A_1266 : i32 to index
          %get3A_1310 = arith.constant 112 : index
          %get3A_1311 = tpu.vector_load %arg16[%get3A_1309, %get3A_1310] {strides = array<i32>} : memref<129x128xf32, #tpu.memory_space<vmem>>, vector<1x16xf32>,
          %get3A_1312 = vector.shape_cast %get3A_1311 : vector<1x16xf32> to vector<16xf32>
          %mul3A_1313 = arith.mulf %gather3A_1261, %get3A_1312 : vector<16xf32>
          %add3A_1314 = arith.addf %scan3A_1258, %mul3A_1313 : vector<16xf32>
          scf.yield %add3A_1272, %add3A_1278, %add3A_1284, %add3A_1290, %add3A_1296, %add3A_1302, %add3A_1308, %add3A_1314 : vector<16xf32>, vector<16xf32>, vector<16xf32>, vector<16xf32>, vector<16xf32>, vector<16xf32>, vector<16xf32>, vector<16xf32>
        }
        %scan3A_1249 = arith.constant 16 : i32
        scf.yield %scan3A_1248#0, %scan3A_1248#1, %scan3A_1248#2, %scan3A_1248#3, %scan3A_1248#4, %scan3A_1248#5, %scan3A_1248#6, %scan3A_1248#7 : vector<16xf32>, vector<16xf32>, vector<16xf32>, vector<16xf32>, vector<16xf32>, vector<16xf32>, vector<16xf32>, vector<16xf32>
      }
      %scan3A_1017 = arith.constant 4 : i32
      %swap3A = arith.constant 0 : index
      %swap3A_1018 = tpu.vector_load %arg19[%swap3A] {strides = array<i32>} : memref<128xf32, #tpu.memory_space<vmem>>, vector<16xf32>,
      %swap3A_1019 = vector.shape_cast %swap3A_1018 : vector<16xf32> to vector<16xf32>
      %swap3A_1020 = vector.shape_cast %scan3A_1016#0 : vector<16xf32> to vector<16xf32>
      tpu.vector_store %arg19[%swap3A], %swap3A_1020 {strides = array<i32>} : memref<128xf32, #tpu.memory_space<vmem>>, vector<16xf32>,
      %swap3A_1021 = arith.constant 16 : index
      %swap3A_1022 = tpu.vector_load %arg19[%swap3A_1021] {strides = array<i32>} : memref<128xf32, #tpu.memory_space<vmem>>, vector<16xf32>,
      %swap3A_1023 = vector.shape_cast %swap3A_1022 : vector<16xf32> to vector<16xf32>
      %swap3A_1024 = vector.shape_cast %scan3A_1016#1 : vector<16xf32> to vector<16xf32>
      tpu.vector_store %arg19[%swap3A_1021], %swap3A_1024 {strides = array<i32>} : memref<128xf32, #tpu.memory_space<vmem>>, vector<16xf32>,
      %swap3A_1025 = arith.constant 32 : index
      %swap3A_1026 = tpu.vector_load %arg19[%swap3A_1025] {strides = array<i32>} : memref<128xf32, #tpu.memory_space<vmem>>, vector<16xf32>,
      %swap3A_1027 = vector.shape_cast %swap3A_1026 : vector<16xf32> to vector<16xf32>
      %swap3A_1028 = vector.shape_cast %scan3A_1016#2 : vector<16xf32> to vector<16xf32>
      tpu.vector_store %arg19[%swap3A_1025], %swap3A_1028 {strides = array<i32>} : memref<128xf32, #tpu.memory_space<vmem>>, vector<16xf32>,
      %swap3A_1029 = arith.constant 48 : index
      %swap3A_1030 = tpu.vector_load %arg19[%swap3A_1029] {strides = array<i32>} : memref<128xf32, #tpu.memory_space<vmem>>, vector<16xf32>,
      %swap3A_1031 = vector.shape_cast %swap3A_1030 : vector<16xf32> to vector<16xf32>
      %swap3A_1032 = vector.shape_cast %scan3A_1016#3 : vector<16xf32> to vector<16xf32>
      tpu.vector_store %arg19[%swap3A_1029], %swap3A_1032 {strides = array<i32>} : memref<128xf32, #tpu.memory_space<vmem>>, vector<16xf32>,
      %swap3A_1033 = arith.constant 64 : index
      %swap3A_1034 = tpu.vector_load %arg19[%swap3A_1033] {strides = array<i32>} : memref<128xf32, #tpu.memory_space<vmem>>, vector<16xf32>,
      %swap3A_1035 = vector.shape_cast %swap3A_1034 : vector<16xf32> to vector<16xf32>
      %swap3A_1036 = vector.shape_cast %scan3A_1016#4 : vector<16xf32> to vector<16xf32>
      tpu.vector_store %arg19[%swap3A_1033], %swap3A_1036 {strides = array<i32>} : memref<128xf32, #tpu.memory_space<vmem>>, vector<16xf32>,
      %swap3A_1037 = arith.constant 80 : index
      %swap3A_1038 = tpu.vector_load %arg19[%swap3A_1037] {strides = array<i32>} : memref<128xf32, #tpu.memory_space<vmem>>, vector<16xf32>,
      %swap3A_1039 = vector.shape_cast %swap3A_1038 : vector<16xf32> to vector<16xf32>
      %swap3A_1040 = vector.shape_cast %scan3A_1016#5 : vector<16xf32> to vector<16xf32>
      tpu.vector_store %arg19[%swap3A_1037], %swap3A_1040 {strides = array<i32>} : memref<128xf32, #tpu.memory_space<vmem>>, vector<16xf32>,
      %swap3A_1041 = arith.constant 96 : index
      %swap3A_1042 = tpu.vector_load %arg19[%swap3A_1041] {strides = array<i32>} : memref<128xf32, #tpu.memory_space<vmem>>, vector<16xf32>,
      %swap3A_1043 = vector.shape_cast %swap3A_1042 : vector<16xf32> to vector<16xf32>
      %swap3A_1044 = vector.shape_cast %scan3A_1016#6 : vector<16xf32> to vector<16xf32>
      tpu.vector_store %arg19[%swap3A_1041], %swap3A_1044 {strides = array<i32>} : memref<128xf32, #tpu.memory_space<vmem>>, vector<16xf32>,
      %swap3A_1045 = arith.constant 112 : index
      %swap3A_1046 = tpu.vector_load %arg19[%swap3A_1045] {strides = array<i32>} : memref<128xf32, #tpu.memory_space<vmem>>, vector<16xf32>,
      %swap3A_1047 = vector.shape_cast %swap3A_1046 : vector<16xf32> to vector<16xf32>
      %swap3A_1048 = vector.shape_cast %scan3A_1016#7 : vector<16xf32> to vector<16xf32>
      tpu.vector_store %arg19[%swap3A_1045], %swap3A_1048 {strides = array<i32>} : memref<128xf32, #tpu.memory_space<vmem>>, vector<16xf32>,
      "tpu.region"() ({
        %run_scoped3A = tpu.sem_alloc : memref<!tpu.dma_semaphore, #tpu.memory_space<semaphore_mem>>
        %dma_start3A_1221 = arith.constant 0 : i32
        %dma_start3A_1222 = tpu.memref_slice %arg22[%arg1, %dma_start3A_1221] : memref<16x128xf32, #tpu.memory_space<vmem_shared>> -> memref<1x128xf32, #tpu.memory_space<vmem_shared>>
        %dma_start3A_1223 = tpu.memref_squeeze %dma_start3A_1222 : memref<1x128xf32, #tpu.memory_space<vmem_shared>> -> memref<128xf32, #tpu.memory_space<vmem_shared>>
        %dma_start3A_1224 = arith.constant 0 : i32
        %dma_start3A_1225 = tpu.memref_slice %arg22[%arg1, %dma_start3A_1224] : memref<16x128xf32, #tpu.memory_space<vmem_shared>> -> memref<1x128xf32, #tpu.memory_space<vmem_shared>>
        %dma_start3A_1226 = tpu.memref_squeeze %dma_start3A_1225 : memref<1x128xf32, #tpu.memory_space<vmem_shared>> -> memref<128xf32, #tpu.memory_space<vmem_shared>>
        tpu.enqueue_dma source(%arg19 : memref<128xf32, #tpu.memory_space<vmem>>) target(%dma_start3A_1226 : memref<128xf32, #tpu.memory_space<vmem_shared>>) target_semaphore(%run_scoped3A : memref<!tpu.dma_semaphore, #tpu.memory_space<semaphore_mem>>)
        %dma_wait3A_1227 = arith.constant 0 : i32
        %dma_wait3A_1228 = tpu.memref_slice %arg22[%arg1, %dma_wait3A_1227] : memref<16x128xf32, #tpu.memory_space<vmem_shared>> -> memref<1x128xf32, #tpu.memory_space<vmem_shared>>
        %dma_wait3A_1229 = tpu.memref_squeeze %dma_wait3A_1228 : memref<1x128xf32, #tpu.memory_space<vmem_shared>> -> memref<128xf32, #tpu.memory_space<vmem_shared>>
        %dma_wait3A_1230 = arith.constant 0 : i32
        %dma_wait3A_1231 = tpu.memref_slice %arg22[%arg1, %dma_wait3A_1230] : memref<16x128xf32, #tpu.memory_space<vmem_shared>> -> memref<1x128xf32, #tpu.memory_space<vmem_shared>>
        %dma_wait3A_1232 = tpu.memref_squeeze %dma_wait3A_1231 : memref<1x128xf32, #tpu.memory_space<vmem_shared>> -> memref<128xf32, #tpu.memory_space<vmem_shared>>
        tpu.wait_dma2 semaphore(%run_scoped3A : memref<!tpu.dma_semaphore, #tpu.memory_space<semaphore_mem>>) src(%arg19 : memref<128xf32, #tpu.memory_space<vmem>>) dst(%dma_wait3A_1232 : memref<128xf32, #tpu.memory_space<vmem_shared>>)
        tpu.yield
      }) : () -> ()
      %barrier3A = arith.constant 0 : index
      tpu.barrier barrier_id(%barrier3A)
      %mul3A_1049 = arith.constant 4 : i32
      %mul3A_1050 = arith.muli %shift_right_arithmetic3A_2, %mul3A_1049 : i32
      "tpu.region"() ({
        %run_scoped3A = tpu.sem_alloc : memref<!tpu.dma_semaphore, #tpu.memory_space<semaphore_mem>>
        %dma_start3A_1221 = arith.constant 0 : i32
        %dma_start3A_1222 = tpu.memref_slice %arg22[%mul3A_1050, %dma_start3A_1221] : memref<16x128xf32, #tpu.memory_space<vmem_shared>> -> memref<4x128xf32, #tpu.memory_space<vmem_shared>>
        %dma_start3A_1223 = arith.constant 0 : i32
        %dma_start3A_1224 = tpu.memref_slice %arg22[%mul3A_1050, %dma_start3A_1223] : memref<16x128xf32, #tpu.memory_space<vmem_shared>> -> memref<4x128xf32, #tpu.memory_space<vmem_shared>>
        tpu.enqueue_dma source(%dma_start3A_1224 : memref<4x128xf32, #tpu.memory_space<vmem_shared>>) target(%arg18 : memref<4x128xf32, #tpu.memory_space<vmem>>) target_semaphore(%run_scoped3A : memref<!tpu.dma_semaphore, #tpu.memory_space<semaphore_mem>>)
        %dma_wait3A_1225 = arith.constant 0 : i32
        %dma_wait3A_1226 = tpu.memref_slice %arg22[%mul3A_1050, %dma_wait3A_1225] : memref<16x128xf32, #tpu.memory_space<vmem_shared>> -> memref<4x128xf32, #tpu.memory_space<vmem_shared>>
        %dma_wait3A_1227 = arith.constant 0 : i32
        %dma_wait3A_1228 = tpu.memref_slice %arg22[%mul3A_1050, %dma_wait3A_1227] : memref<16x128xf32, #tpu.memory_space<vmem_shared>> -> memref<4x128xf32, #tpu.memory_space<vmem_shared>>
        tpu.wait_dma2 semaphore(%run_scoped3A : memref<!tpu.dma_semaphore, #tpu.memory_space<semaphore_mem>>) src(%dma_wait3A_1228 : memref<4x128xf32, #tpu.memory_space<vmem_shared>>) dst(%arg18 : memref<4x128xf32, #tpu.memory_space<vmem>>)
        tpu.yield
      }) : () -> ()
      %mul3A_1051 = arith.constant 32 : i32
      %mul3A_1052 = arith.muli %and3A_3, %mul3A_1051 : i32
      %get3A_1053 = arith.constant 0 : i32
      %get3A_1054 = arith.index_cast %get3A_1053 : i32 to index
      %get3A_1055 = arith.index_cast %mul3A_1052 : i32 to index
      %get3A_1056 = tpu.vector_load %arg18[%get3A_1054, %get3A_1055] {strides = array<i32>} : memref<4x128xf32, #tpu.memory_space<vmem>>, vector<1x16xf32>,
      %get3A_1057 = vector.shape_cast %get3A_1056 : vector<1x16xf32> to vector<16xf32>
      %get3A_1058 = arith.constant 1 : i32
      %get3A_1059 = arith.index_cast %get3A_1058 : i32 to index
      %get3A_1060 = arith.index_cast %mul3A_1052 : i32 to index
      %get3A_1061 = tpu.vector_load %arg18[%get3A_1059, %get3A_1060] {strides = array<i32>} : memref<4x128xf32, #tpu.memory_space<vmem>>, vector<1x16xf32>,
      %get3A_1062 = vector.shape_cast %get3A_1061 : vector<1x16xf32> to vector<16xf32>
      %add3A_1063 = arith.addf %get3A_1057, %get3A_1062 : vector<16xf32>
      %get3A_1064 = arith.constant 2 : i32
      %get3A_1065 = arith.index_cast %get3A_1064 : i32 to index
      %get3A_1066 = arith.index_cast %mul3A_1052 : i32 to index
      %get3A_1067 = tpu.vector_load %arg18[%get3A_1065, %get3A_1066] {strides = array<i32>} : memref<4x128xf32, #tpu.memory_space<vmem>>, vector<1x16xf32>,
      %get3A_1068 = vector.shape_cast %get3A_1067 : vector<1x16xf32> to vector<16xf32>
      %add3A_1069 = arith.addf %add3A_1063, %get3A_1068 : vector<16xf32>
      %get3A_1070 = arith.constant 3 : i32
      %get3A_1071 = arith.index_cast %get3A_1070 : i32 to index
      %get3A_1072 = arith.index_cast %mul3A_1052 : i32 to index
      %get3A_1073 = tpu.vector_load %arg18[%get3A_1071, %get3A_1072] {strides = array<i32>} : memref<4x128xf32, #tpu.memory_space<vmem>>, vector<1x16xf32>,
      %get3A_1074 = vector.shape_cast %get3A_1073 : vector<1x16xf32> to vector<16xf32>
      %add3A_1075 = arith.addf %add3A_1069, %get3A_1074 : vector<16xf32>
      %add3A_1076 = arith.constant 16 : i32
      %add3A_1077 = arith.addi %mul3A_1052, %add3A_1076 : i32
      %get3A_1078 = arith.constant 0 : i32
      %get3A_1079 = arith.index_cast %get3A_1078 : i32 to index
      %get3A_1080 = arith.index_cast %add3A_1077 : i32 to index
      %get3A_1081 = tpu.vector_load %arg18[%get3A_1079, %get3A_1080] {strides = array<i32>} : memref<4x128xf32, #tpu.memory_space<vmem>>, vector<1x16xf32>,
      %get3A_1082 = vector.shape_cast %get3A_1081 : vector<1x16xf32> to vector<16xf32>
      %get3A_1083 = arith.constant 1 : i32
      %get3A_1084 = arith.index_cast %get3A_1083 : i32 to index
      %get3A_1085 = arith.index_cast %add3A_1077 : i32 to index
      %get3A_1086 = tpu.vector_load %arg18[%get3A_1084, %get3A_1085] {strides = array<i32>} : memref<4x128xf32, #tpu.memory_space<vmem>>, vector<1x16xf32>,
      %get3A_1087 = vector.shape_cast %get3A_1086 : vector<1x16xf32> to vector<16xf32>
      %add3A_1088 = arith.addf %get3A_1082, %get3A_1087 : vector<16xf32>
      %get3A_1089 = arith.constant 2 : i32
      %get3A_1090 = arith.index_cast %get3A_1089 : i32 to index
      %get3A_1091 = arith.index_cast %add3A_1077 : i32 to index
      %get3A_1092 = tpu.vector_load %arg18[%get3A_1090, %get3A_1091] {strides = array<i32>} : memref<4x128xf32, #tpu.memory_space<vmem>>, vector<1x16xf32>,
      %get3A_1093 = vector.shape_cast %get3A_1092 : vector<1x16xf32> to vector<16xf32>
      %add3A_1094 = arith.addf %add3A_1088, %get3A_1093 : vector<16xf32>
      %get3A_1095 = arith.constant 3 : i32
      %get3A_1096 = arith.index_cast %get3A_1095 : i32 to index
      %get3A_1097 = arith.index_cast %add3A_1077 : i32 to index
      %get3A_1098 = tpu.vector_load %arg18[%get3A_1096, %get3A_1097] {strides = array<i32>} : memref<4x128xf32, #tpu.memory_space<vmem>>, vector<1x16xf32>,
      %get3A_1099 = vector.shape_cast %get3A_1098 : vector<1x16xf32> to vector<16xf32>
      %add3A_1100 = arith.addf %add3A_1094, %get3A_1099 : vector<16xf32>
      %max3A = arith.constant -6.90675497 : f32
      %max3A_1101 = vector.broadcast %max3A : f32 to vector<16xf32>
      %max3A_1102 = arith.maximumf %add3A_1075, %max3A_1101 : vector<16xf32>
      %min3A = arith.constant 6.90675497 : f32
      %min3A_1103 = vector.broadcast %min3A : f32 to vector<16xf32>
      %min3A_1104 = arith.minimumf %max3A_1102, %min3A_1103 : vector<16xf32>
      %max3A_1105 = arith.constant -6.90675497 : f32
      %max3A_1106 = vector.broadcast %max3A_1105 : f32 to vector<16xf32>
      %max3A_1107 = arith.maximumf %add3A_1100, %max3A_1106 : vector<16xf32>
      %min3A_1108 = arith.constant 6.90675497 : f32
      %min3A_1109 = vector.broadcast %min3A_1108 : f32 to vector<16xf32>
      %min3A_1110 = arith.minimumf %max3A_1107, %min3A_1109 : vector<16xf32>
      %dma_wait3A_1111 = arith.constant 0 : i32
      %dma_wait3A_1112 = arith.constant 0 : i32
      %dma_wait3A_1113 = tpu.memref_slice %arg9[%multiple_of3A_870, %shift_right_arithmetic3A_906, %dma_wait3A_1111, %and3A_908, %dma_wait3A_1112] : memref<513x32x1x8x128xf32, #tpu.memory_space<hbm>> -> memref<33x1x1x1x128xf32, #tpu.memory_space<hbm>>
      %dma_wait3A_1114 = tpu.memref_squeeze %dma_wait3A_1113 : memref<33x1x1x1x128xf32, #tpu.memory_space<hbm>> -> memref<33x128xf32, #tpu.memory_space<hbm>>
      %dma_wait3A_1115 = arith.constant 0 : i32
      %dma_wait3A_1116 = tpu.memref_slice %arg9[%multiple_of3A_870, %shift_right_arithmetic3A_906, %dma_wait3A_1111, %and3A_908, %dma_wait3A_1115] : memref<513x32x1x8x128xf32, #tpu.memory_space<hbm>> -> memref<33x1x1x1x128xf32, #tpu.memory_space<hbm>>
      %dma_wait3A_1117 = tpu.memref_squeeze %dma_wait3A_1116 : memref<33x1x1x1x128xf32, #tpu.memory_space<hbm>> -> memref<33x128xf32, #tpu.memory_space<hbm>>
      tpu.wait_dma2 semaphore(%arg27 : memref<!tpu.dma_semaphore, #tpu.memory_space<semaphore_mem>>) src(%dma_wait3A_1117 : memref<33x128xf32, #tpu.memory_space<hbm>>) dst(%arg17 : memref<33x128xf32, #tpu.memory_space<vmem>>)
      %eq3A_1118 = arith.constant 0 : i32
      %eq3A_1119 = arith.cmpi eq, %arg1, %eq3A_1118 : i32
      %jit3A_1120 = arith.constant 0.000000e+00 : f32
      %select_n3A_1121 = arith.select %eq3A_1119, %squeeze3A_922, %jit3A_1120 : f32
      %get3A_1122 = arith.constant 0 : i32
      %get3A_1123 = arith.index_cast %get3A_1122 : i32 to index
      %get3A_1124 = arith.constant 0 : index
      %get3A_1125 = tpu.vector_load %arg17[%get3A_1123, %get3A_1124] {strides = array<i32>} : memref<33x128xf32, #tpu.memory_space<vmem>>, vector<1x16xf32>,
      %get3A_1126 = vector.shape_cast %get3A_1125 : vector<1x16xf32> to vector<16xf32>
      %mul3A_1127 = vector.broadcast %select_n3A_1121 : f32 to vector<16xf32>
      %mul3A_1128 = arith.mulf %mul3A_1127, %get3A_1126 : vector<16xf32>
      %get3A_1129 = arith.constant 0 : i32
      %get3A_1130 = arith.index_cast %get3A_1129 : i32 to index
      %get3A_1131 = arith.constant 16 : index
      %get3A_1132 = tpu.vector_load %arg17[%get3A_1130, %get3A_1131] {strides = array<i32>} : memref<33x128xf32, #tpu.memory_space<vmem>>, vector<1x16xf32>,
      %get3A_1133 = vector.shape_cast %get3A_1132 : vector<1x16xf32> to vector<16xf32>
      %mul3A_1134 = vector.broadcast %select_n3A_1121 : f32 to vector<16xf32>
      %mul3A_1135 = arith.mulf %mul3A_1134, %get3A_1133 : vector<16xf32>
      %get3A_1136 = arith.constant 0 : i32
      %get3A_1137 = arith.index_cast %get3A_1136 : i32 to index
      %get3A_1138 = arith.constant 32 : index
      %get3A_1139 = tpu.vector_load %arg17[%get3A_1137, %get3A_1138] {strides = array<i32>} : memref<33x128xf32, #tpu.memory_space<vmem>>, vector<1x16xf32>,
      %get3A_1140 = vector.shape_cast %get3A_1139 : vector<1x16xf32> to vector<16xf32>
      %mul3A_1141 = vector.broadcast %select_n3A_1121 : f32 to vector<16xf32>
      %mul3A_1142 = arith.mulf %mul3A_1141, %get3A_1140 : vector<16xf32>
      %get3A_1143 = arith.constant 0 : i32
      %get3A_1144 = arith.index_cast %get3A_1143 : i32 to index
      %get3A_1145 = arith.constant 48 : index
      %get3A_1146 = tpu.vector_load %arg17[%get3A_1144, %get3A_1145] {strides = array<i32>} : memref<33x128xf32, #tpu.memory_space<vmem>>, vector<1x16xf32>,
      %get3A_1147 = vector.shape_cast %get3A_1146 : vector<1x16xf32> to vector<16xf32>
      %mul3A_1148 = vector.broadcast %select_n3A_1121 : f32 to vector<16xf32>
      %mul3A_1149 = arith.mulf %mul3A_1148, %get3A_1147 : vector<16xf32>
      %get3A_1150 = arith.constant 0 : i32
      %get3A_1151 = arith.index_cast %get3A_1150 : i32 to index
      %get3A_1152 = arith.constant 64 : index
      %get3A_1153 = tpu.vector_load %arg17[%get3A_1151, %get3A_1152] {strides = array<i32>} : memref<33x128xf32, #tpu.memory_space<vmem>>, vector<1x16xf32>,
      %get3A_1154 = vector.shape_cast %get3A_1153 : vector<1x16xf32> to vector<16xf32>
      %mul3A_1155 = vector.broadcast %select_n3A_1121 : f32 to vector<16xf32>
      %mul3A_1156 = arith.mulf %mul3A_1155, %get3A_1154 : vector<16xf32>
      %get3A_1157 = arith.constant 0 : i32
      %get3A_1158 = arith.index_cast %get3A_1157 : i32 to index
      %get3A_1159 = arith.constant 80 : index
      %get3A_1160 = tpu.vector_load %arg17[%get3A_1158, %get3A_1159] {strides = array<i32>} : memref<33x128xf32, #tpu.memory_space<vmem>>, vector<1x16xf32>,
      %get3A_1161 = vector.shape_cast %get3A_1160 : vector<1x16xf32> to vector<16xf32>
      %mul3A_1162 = vector.broadcast %select_n3A_1121 : f32 to vector<16xf32>
      %mul3A_1163 = arith.mulf %mul3A_1162, %get3A_1161 : vector<16xf32>
      %get3A_1164 = arith.constant 0 : i32
      %get3A_1165 = arith.index_cast %get3A_1164 : i32 to index
      %get3A_1166 = arith.constant 96 : index
      %get3A_1167 = tpu.vector_load %arg17[%get3A_1165, %get3A_1166] {strides = array<i32>} : memref<33x128xf32, #tpu.memory_space<vmem>>, vector<1x16xf32>,
      %get3A_1168 = vector.shape_cast %get3A_1167 : vector<1x16xf32> to vector<16xf32>
      %mul3A_1169 = vector.broadcast %select_n3A_1121 : f32 to vector<16xf32>
      %mul3A_1170 = arith.mulf %mul3A_1169, %get3A_1168 : vector<16xf32>
      %get3A_1171 = arith.constant 0 : i32
      %get3A_1172 = arith.index_cast %get3A_1171 : i32 to index
      %get3A_1173 = arith.constant 112 : index
      %get3A_1174 = tpu.vector_load %arg17[%get3A_1172, %get3A_1173] {strides = array<i32>} : memref<33x128xf32, #tpu.memory_space<vmem>>, vector<1x16xf32>,
      %get3A_1175 = vector.shape_cast %get3A_1174 : vector<1x16xf32> to vector<16xf32>
      %mul3A_1176 = vector.broadcast %select_n3A_1121 : f32 to vector<16xf32>
      %mul3A_1177 = arith.mulf %mul3A_1176, %get3A_1175 : vector<16xf32>
      %scan3A_1178 = arith.constant 0 : i32
      %scan3A_1179 = arith.constant 32 : i32
      %scan3A_1180 = arith.addi %scan3A_1178, %scan3A_1179 : i32
      %scan3A_1181 = arith.constant 1 : i32
      %scan3A_1182:8 = scf.for %scan3A_1221 = %scan3A_1178 to %scan3A_1180 step %scan3A_1181 iter_args(%scan3A_1222 = %mul3A_1128, %scan3A_1223 = %mul3A_1135, %scan3A_1224 = %mul3A_1142, %scan3A_1225 = %mul3A_1149, %scan3A_1226 = %mul3A_1156, %scan3A_1227 = %mul3A_1163, %scan3A_1228 = %mul3A_1170, %scan3A_1229 = %mul3A_1177) -> (vector<16xf32>, vector<16xf32>, vector<16xf32>, vector<16xf32>, vector<16xf32>, vector<16xf32>, vector<16xf32>, vector<16xf32>)  : i32 {
        %lt3A_1230 = arith.constant 16 : i32
        %lt3A_1231 = arith.cmpi slt, %scan3A_1221, %lt3A_1230 : i32
        %and3A_1232 = arith.constant 15 : i32
        %and3A_1233 = arith.andi %scan3A_1221, %and3A_1232 : i32
        %broadcast_in_dim3A_1234 = vector.broadcast %and3A_1233 : i32 to vector<16x1xi32>
        %gather3A_1235 = vector.shape_cast %broadcast_in_dim3A_1234 : vector<16x1xi32> to vector<16xi32>
        %gather3A_1236 = tpu.dynamic_gather %min3A_1104[%gather3A_1235] in [0] : vector<16xf32>, vector<16xi32> -> vector<16xf32>
        %and3A_1237 = arith.constant 15 : i32
        %and3A_1238 = arith.andi %scan3A_1221, %and3A_1237 : i32
        %broadcast_in_dim3A_1239 = vector.broadcast %and3A_1238 : i32 to vector<16x1xi32>
        %gather3A_1240 = vector.shape_cast %broadcast_in_dim3A_1239 : vector<16x1xi32> to vector<16xi32>
        %gather3A_1241 = tpu.dynamic_gather %min3A_1110[%gather3A_1240] in [0] : vector<16xf32>, vector<16xi32> -> vector<16xf32>
        %select_n3A_1242 = arith.select %lt3A_1231, %gather3A_1236, %gather3A_1241 : vector<16xf32>
        %add3A_1243 = arith.constant 1 : i32
        %add3A_1244 = arith.addi %scan3A_1221, %add3A_1243 : i32
        %get3A_1245 = arith.index_cast %add3A_1244 : i32 to index
        %get3A_1246 = arith.constant 0 : index
        %get3A_1247 = tpu.vector_load %arg17[%get3A_1245, %get3A_1246] {strides = array<i32>} : memref<33x128xf32, #tpu.memory_space<vmem>>, vector<1x16xf32>,
        %get3A_1248 = vector.shape_cast %get3A_1247 : vector<1x16xf32> to vector<16xf32>
        %mul3A_1249 = arith.mulf %select_n3A_1242, %get3A_1248 : vector<16xf32>
        %add3A_1250 = arith.addf %scan3A_1222, %mul3A_1249 : vector<16xf32>
        %add3A_1251 = arith.constant 1 : i32
        %add3A_1252 = arith.addi %scan3A_1221, %add3A_1251 : i32
        %get3A_1253 = arith.index_cast %add3A_1252 : i32 to index
        %get3A_1254 = arith.constant 16 : index
        %get3A_1255 = tpu.vector_load %arg17[%get3A_1253, %get3A_1254] {strides = array<i32>} : memref<33x128xf32, #tpu.memory_space<vmem>>, vector<1x16xf32>,
        %get3A_1256 = vector.shape_cast %get3A_1255 : vector<1x16xf32> to vector<16xf32>
        %mul3A_1257 = arith.mulf %select_n3A_1242, %get3A_1256 : vector<16xf32>
        %add3A_1258 = arith.addf %scan3A_1223, %mul3A_1257 : vector<16xf32>
        %add3A_1259 = arith.constant 1 : i32
        %add3A_1260 = arith.addi %scan3A_1221, %add3A_1259 : i32
        %get3A_1261 = arith.index_cast %add3A_1260 : i32 to index
        %get3A_1262 = arith.constant 32 : index
        %get3A_1263 = tpu.vector_load %arg17[%get3A_1261, %get3A_1262] {strides = array<i32>} : memref<33x128xf32, #tpu.memory_space<vmem>>, vector<1x16xf32>,
        %get3A_1264 = vector.shape_cast %get3A_1263 : vector<1x16xf32> to vector<16xf32>
        %mul3A_1265 = arith.mulf %select_n3A_1242, %get3A_1264 : vector<16xf32>
        %add3A_1266 = arith.addf %scan3A_1224, %mul3A_1265 : vector<16xf32>
        %add3A_1267 = arith.constant 1 : i32
        %add3A_1268 = arith.addi %scan3A_1221, %add3A_1267 : i32
        %get3A_1269 = arith.index_cast %add3A_1268 : i32 to index
        %get3A_1270 = arith.constant 48 : index
        %get3A_1271 = tpu.vector_load %arg17[%get3A_1269, %get3A_1270] {strides = array<i32>} : memref<33x128xf32, #tpu.memory_space<vmem>>, vector<1x16xf32>,
        %get3A_1272 = vector.shape_cast %get3A_1271 : vector<1x16xf32> to vector<16xf32>
        %mul3A_1273 = arith.mulf %select_n3A_1242, %get3A_1272 : vector<16xf32>
        %add3A_1274 = arith.addf %scan3A_1225, %mul3A_1273 : vector<16xf32>
        %add3A_1275 = arith.constant 1 : i32
        %add3A_1276 = arith.addi %scan3A_1221, %add3A_1275 : i32
        %get3A_1277 = arith.index_cast %add3A_1276 : i32 to index
        %get3A_1278 = arith.constant 64 : index
        %get3A_1279 = tpu.vector_load %arg17[%get3A_1277, %get3A_1278] {strides = array<i32>} : memref<33x128xf32, #tpu.memory_space<vmem>>, vector<1x16xf32>,
        %get3A_1280 = vector.shape_cast %get3A_1279 : vector<1x16xf32> to vector<16xf32>
        %mul3A_1281 = arith.mulf %select_n3A_1242, %get3A_1280 : vector<16xf32>
        %add3A_1282 = arith.addf %scan3A_1226, %mul3A_1281 : vector<16xf32>
        %add3A_1283 = arith.constant 1 : i32
        %add3A_1284 = arith.addi %scan3A_1221, %add3A_1283 : i32
        %get3A_1285 = arith.index_cast %add3A_1284 : i32 to index
        %get3A_1286 = arith.constant 80 : index
        %get3A_1287 = tpu.vector_load %arg17[%get3A_1285, %get3A_1286] {strides = array<i32>} : memref<33x128xf32, #tpu.memory_space<vmem>>, vector<1x16xf32>,
        %get3A_1288 = vector.shape_cast %get3A_1287 : vector<1x16xf32> to vector<16xf32>
        %mul3A_1289 = arith.mulf %select_n3A_1242, %get3A_1288 : vector<16xf32>
        %add3A_1290 = arith.addf %scan3A_1227, %mul3A_1289 : vector<16xf32>
        %add3A_1291 = arith.constant 1 : i32
        %add3A_1292 = arith.addi %scan3A_1221, %add3A_1291 : i32
        %get3A_1293 = arith.index_cast %add3A_1292 : i32 to index
        %get3A_1294 = arith.constant 96 : index
        %get3A_1295 = tpu.vector_load %arg17[%get3A_1293, %get3A_1294] {strides = array<i32>} : memref<33x128xf32, #tpu.memory_space<vmem>>, vector<1x16xf32>,
        %get3A_1296 = vector.shape_cast %get3A_1295 : vector<1x16xf32> to vector<16xf32>
        %mul3A_1297 = arith.mulf %select_n3A_1242, %get3A_1296 : vector<16xf32>
        %add3A_1298 = arith.addf %scan3A_1228, %mul3A_1297 : vector<16xf32>
        %add3A_1299 = arith.constant 1 : i32
        %add3A_1300 = arith.addi %scan3A_1221, %add3A_1299 : i32
        %get3A_1301 = arith.index_cast %add3A_1300 : i32 to index
        %get3A_1302 = arith.constant 112 : index
        %get3A_1303 = tpu.vector_load %arg17[%get3A_1301, %get3A_1302] {strides = array<i32>} : memref<33x128xf32, #tpu.memory_space<vmem>>, vector<1x16xf32>,
        %get3A_1304 = vector.shape_cast %get3A_1303 : vector<1x16xf32> to vector<16xf32>
        %mul3A_1305 = arith.mulf %select_n3A_1242, %get3A_1304 : vector<16xf32>
        %add3A_1306 = arith.addf %scan3A_1229, %mul3A_1305 : vector<16xf32>
        scf.yield %add3A_1250, %add3A_1258, %add3A_1266, %add3A_1274, %add3A_1282, %add3A_1290, %add3A_1298, %add3A_1306 : vector<16xf32>, vector<16xf32>, vector<16xf32>, vector<16xf32>, vector<16xf32>, vector<16xf32>, vector<16xf32>, vector<16xf32>
      }
      %scan3A_1183 = arith.constant 32 : i32
      %swap3A_1184 = arith.constant 0 : index
      %swap3A_1185 = tpu.vector_load %arg19[%swap3A_1184] {strides = array<i32>} : memref<128xf32, #tpu.memory_space<vmem>>, vector<16xf32>,
      %swap3A_1186 = vector.shape_cast %swap3A_1185 : vector<16xf32> to vector<16xf32>
      %swap3A_1187 = vector.shape_cast %scan3A_1182#0 : vector<16xf32> to vector<16xf32>
      tpu.vector_store %arg19[%swap3A_1184], %swap3A_1187 {strides = array<i32>} : memref<128xf32, #tpu.memory_space<vmem>>, vector<16xf32>,
      %swap3A_1188 = arith.constant 16 : index
      %swap3A_1189 = tpu.vector_load %arg19[%swap3A_1188] {strides = array<i32>} : memref<128xf32, #tpu.memory_space<vmem>>, vector<16xf32>,
      %swap3A_1190 = vector.shape_cast %swap3A_1189 : vector<16xf32> to vector<16xf32>
      %swap3A_1191 = vector.shape_cast %scan3A_1182#1 : vector<16xf32> to vector<16xf32>
      tpu.vector_store %arg19[%swap3A_1188], %swap3A_1191 {strides = array<i32>} : memref<128xf32, #tpu.memory_space<vmem>>, vector<16xf32>,
      %swap3A_1192 = arith.constant 32 : index
      %swap3A_1193 = tpu.vector_load %arg19[%swap3A_1192] {strides = array<i32>} : memref<128xf32, #tpu.memory_space<vmem>>, vector<16xf32>,
      %swap3A_1194 = vector.shape_cast %swap3A_1193 : vector<16xf32> to vector<16xf32>
      %swap3A_1195 = vector.shape_cast %scan3A_1182#2 : vector<16xf32> to vector<16xf32>
      tpu.vector_store %arg19[%swap3A_1192], %swap3A_1195 {strides = array<i32>} : memref<128xf32, #tpu.memory_space<vmem>>, vector<16xf32>,
      %swap3A_1196 = arith.constant 48 : index
      %swap3A_1197 = tpu.vector_load %arg19[%swap3A_1196] {strides = array<i32>} : memref<128xf32, #tpu.memory_space<vmem>>, vector<16xf32>,
      %swap3A_1198 = vector.shape_cast %swap3A_1197 : vector<16xf32> to vector<16xf32>
      %swap3A_1199 = vector.shape_cast %scan3A_1182#3 : vector<16xf32> to vector<16xf32>
      tpu.vector_store %arg19[%swap3A_1196], %swap3A_1199 {strides = array<i32>} : memref<128xf32, #tpu.memory_space<vmem>>, vector<16xf32>,
      %swap3A_1200 = arith.constant 64 : index
      %swap3A_1201 = tpu.vector_load %arg19[%swap3A_1200] {strides = array<i32>} : memref<128xf32, #tpu.memory_space<vmem>>, vector<16xf32>,
      %swap3A_1202 = vector.shape_cast %swap3A_1201 : vector<16xf32> to vector<16xf32>
      %swap3A_1203 = vector.shape_cast %scan3A_1182#4 : vector<16xf32> to vector<16xf32>
      tpu.vector_store %arg19[%swap3A_1200], %swap3A_1203 {strides = array<i32>} : memref<128xf32, #tpu.memory_space<vmem>>, vector<16xf32>,
      %swap3A_1204 = arith.constant 80 : index
      %swap3A_1205 = tpu.vector_load %arg19[%swap3A_1204] {strides = array<i32>} : memref<128xf32, #tpu.memory_space<vmem>>, vector<16xf32>,
      %swap3A_1206 = vector.shape_cast %swap3A_1205 : vector<16xf32> to vector<16xf32>
      %swap3A_1207 = vector.shape_cast %scan3A_1182#5 : vector<16xf32> to vector<16xf32>
      tpu.vector_store %arg19[%swap3A_1204], %swap3A_1207 {strides = array<i32>} : memref<128xf32, #tpu.memory_space<vmem>>, vector<16xf32>,
      %swap3A_1208 = arith.constant 96 : index
      %swap3A_1209 = tpu.vector_load %arg19[%swap3A_1208] {strides = array<i32>} : memref<128xf32, #tpu.memory_space<vmem>>, vector<16xf32>,
      %swap3A_1210 = vector.shape_cast %swap3A_1209 : vector<16xf32> to vector<16xf32>
      %swap3A_1211 = vector.shape_cast %scan3A_1182#6 : vector<16xf32> to vector<16xf32>
      tpu.vector_store %arg19[%swap3A_1208], %swap3A_1211 {strides = array<i32>} : memref<128xf32, #tpu.memory_space<vmem>>, vector<16xf32>,
      %swap3A_1212 = arith.constant 112 : index
      %swap3A_1213 = tpu.vector_load %arg19[%swap3A_1212] {strides = array<i32>} : memref<128xf32, #tpu.memory_space<vmem>>, vector<16xf32>,
      %swap3A_1214 = vector.shape_cast %swap3A_1213 : vector<16xf32> to vector<16xf32>
      %swap3A_1215 = vector.shape_cast %scan3A_1182#7 : vector<16xf32> to vector<16xf32>
      tpu.vector_store %arg19[%swap3A_1212], %swap3A_1215 {strides = array<i32>} : memref<128xf32, #tpu.memory_space<vmem>>, vector<16xf32>,
      "tpu.region"() ({
        %run_scoped3A = tpu.sem_alloc : memref<!tpu.dma_semaphore, #tpu.memory_space<semaphore_mem>>
        %dma_start3A_1221 = arith.constant 0 : i32
        %dma_start3A_1222 = tpu.memref_slice %arg23[%arg1, %dma_start3A_1221] : memref<16x128xf32, #tpu.memory_space<vmem_shared>> -> memref<1x128xf32, #tpu.memory_space<vmem_shared>>
        %dma_start3A_1223 = tpu.memref_squeeze %dma_start3A_1222 : memref<1x128xf32, #tpu.memory_space<vmem_shared>> -> memref<128xf32, #tpu.memory_space<vmem_shared>>
        %dma_start3A_1224 = arith.constant 0 : i32
        %dma_start3A_1225 = tpu.memref_slice %arg23[%arg1, %dma_start3A_1224] : memref<16x128xf32, #tpu.memory_space<vmem_shared>> -> memref<1x128xf32, #tpu.memory_space<vmem_shared>>
        %dma_start3A_1226 = tpu.memref_squeeze %dma_start3A_1225 : memref<1x128xf32, #tpu.memory_space<vmem_shared>> -> memref<128xf32, #tpu.memory_space<vmem_shared>>
        tpu.enqueue_dma source(%arg19 : memref<128xf32, #tpu.memory_space<vmem>>) target(%dma_start3A_1226 : memref<128xf32, #tpu.memory_space<vmem_shared>>) target_semaphore(%run_scoped3A : memref<!tpu.dma_semaphore, #tpu.memory_space<semaphore_mem>>)
        %dma_wait3A_1227 = arith.constant 0 : i32
        %dma_wait3A_1228 = tpu.memref_slice %arg23[%arg1, %dma_wait3A_1227] : memref<16x128xf32, #tpu.memory_space<vmem_shared>> -> memref<1x128xf32, #tpu.memory_space<vmem_shared>>
        %dma_wait3A_1229 = tpu.memref_squeeze %dma_wait3A_1228 : memref<1x128xf32, #tpu.memory_space<vmem_shared>> -> memref<128xf32, #tpu.memory_space<vmem_shared>>
        %dma_wait3A_1230 = arith.constant 0 : i32
        %dma_wait3A_1231 = tpu.memref_slice %arg23[%arg1, %dma_wait3A_1230] : memref<16x128xf32, #tpu.memory_space<vmem_shared>> -> memref<1x128xf32, #tpu.memory_space<vmem_shared>>
        %dma_wait3A_1232 = tpu.memref_squeeze %dma_wait3A_1231 : memref<1x128xf32, #tpu.memory_space<vmem_shared>> -> memref<128xf32, #tpu.memory_space<vmem_shared>>
        tpu.wait_dma2 semaphore(%run_scoped3A : memref<!tpu.dma_semaphore, #tpu.memory_space<semaphore_mem>>) src(%arg19 : memref<128xf32, #tpu.memory_space<vmem>>) dst(%dma_wait3A_1232 : memref<128xf32, #tpu.memory_space<vmem_shared>>)
        tpu.yield
      }) : () -> ()
      %barrier3A_1216 = arith.constant 0 : index
      tpu.barrier barrier_id(%barrier3A_1216)
      %lt3A = arith.constant 8 : i32
      %lt3A_1217 = arith.cmpi slt, %arg1, %lt3A : i32
      %convert_element_type3A_1218 = arith.extui %lt3A_1217 : i1 to i32
      %cond3A_1219 = arith.constant 0 : i32
      %cond3A_1220 = arith.cmpi ne, %convert_element_type3A_1218, %cond3A_1219 : i32
      scf.if %cond3A_1220 {
        "tpu.region"() ({
          %run_scoped3A = tpu.sem_alloc : memref<!tpu.dma_semaphore, #tpu.memory_space<semaphore_mem>>
          tpu.enqueue_dma source(%arg23 : memref<16x128xf32, #tpu.memory_space<vmem_shared>>) target(%arg20 : memref<16x128xf32, #tpu.memory_space<vmem>>) target_semaphore(%run_scoped3A : memref<!tpu.dma_semaphore, #tpu.memory_space<semaphore_mem>>)
          tpu.wait_dma2 semaphore(%run_scoped3A : memref<!tpu.dma_semaphore, #tpu.memory_space<semaphore_mem>>) src(%arg23 : memref<16x128xf32, #tpu.memory_space<vmem_shared>>) dst(%arg20 : memref<16x128xf32, #tpu.memory_space<vmem>>)
          tpu.yield
        }) : () -> ()
        %mul3A_1221 = arith.constant 16 : i32
        %mul3A_1222 = arith.muli %arg1, %mul3A_1221 : i32
        %multiple_of3A_1223 = tpu.assume_multiple %mul3A_1222, 16 : i32
        %get3A_1224 = arith.constant 0 : i32
        %get3A_1225 = arith.index_cast %get3A_1224 : i32 to index
        %get3A_1226 = arith.index_cast %multiple_of3A_1223 : i32 to index
        %get3A_1227 = tpu.vector_load %arg20[%get3A_1225, %get3A_1226] {strides = array<i32>} : memref<16x128xf32, #tpu.memory_space<vmem>>, vector<1x16xf32>,
        %get3A_1228 = vector.shape_cast %get3A_1227 : vector<1x16xf32> to vector<16xf32>
        %scan3A_1229 = arith.constant 1 : i32
        %scan3A_1230 = arith.constant 15 : i32
        %scan3A_1231 = arith.addi %scan3A_1229, %scan3A_1230 : i32
        %scan3A_1232 = arith.constant 1 : i32
        %scan3A_1233 = scf.for %scan3A_1252 = %scan3A_1229 to %scan3A_1231 step %scan3A_1232 iter_args(%scan3A_1253 = %get3A_1228) -> (vector<16xf32>)  : i32 {
          %get3A_1254 = arith.index_cast %scan3A_1252 : i32 to index
          %get3A_1255 = arith.index_cast %multiple_of3A_1223 : i32 to index
          %get3A_1256 = tpu.vector_load %arg20[%get3A_1254, %get3A_1255] {strides = array<i32>} : memref<16x128xf32, #tpu.memory_space<vmem>>, vector<1x16xf32>,
          %get3A_1257 = vector.shape_cast %get3A_1256 : vector<1x16xf32> to vector<16xf32>
          %add3A_1258 = arith.addf %scan3A_1253, %get3A_1257 : vector<16xf32>
          scf.yield %add3A_1258 : vector<16xf32>
        }
        %scan3A_1234 = arith.constant 15 : i32
        %neg3A = arith.constant 0.000000e+00 : f32
        %neg3A_1235 = vector.broadcast %neg3A : f32 to vector<16xf32>
        %neg3A_1236 = arith.subf %neg3A_1235, %scan3A_1233 : vector<16xf32>
        %exp3A = math.exp %neg3A_1236 : vector<16xf32>
        %add3A_1237 = arith.constant 1.000000e+00 : f32
        %add3A_1238 = vector.broadcast %add3A_1237 : f32 to vector<16xf32>
        %add3A_1239 = arith.addf %add3A_1238, %exp3A : vector<16xf32>
        %div3A = arith.constant 1.000000e+00 : f32
        %div3A_1240 = vector.broadcast %div3A : f32 to vector<16xf32>
        %div3A_1241 = arith.divf %div3A_1240, %add3A_1239 : vector<16xf32>
        %max3A_1242 = arith.constant 1.000000e-03 : f32
        %max3A_1243 = vector.broadcast %max3A_1242 : f32 to vector<16xf32>
        %max3A_1244 = arith.maximumf %div3A_1241, %max3A_1243 : vector<16xf32>
        %min3A_1245 = arith.constant 9.990000e-01 : f32
        %min3A_1246 = vector.broadcast %min3A_1245 : f32 to vector<16xf32>
        %min3A_1247 = arith.minimumf %max3A_1244, %min3A_1246 : vector<16xf32>
        %swap3A_1248 = arith.constant 0 : index
        %swap3A_1249 = tpu.vector_load %arg21[%swap3A_1248] {strides = array<i32>} : memref<16xf32, #tpu.memory_space<vmem>>, vector<16xf32>,
        %swap3A_1250 = vector.shape_cast %swap3A_1249 : vector<16xf32> to vector<16xf32>
        %swap3A_1251 = vector.shape_cast %min3A_1247 : vector<16xf32> to vector<16xf32>
        tpu.vector_store %arg21[%swap3A_1248], %swap3A_1251 {strides = array<i32>} : memref<16xf32, #tpu.memory_space<vmem>>, vector<16xf32>,
        "tpu.region"() ({
          %run_scoped3A = tpu.sem_alloc : memref<!tpu.dma_semaphore, #tpu.memory_space<semaphore_mem>>
          %dma_start3A_1252 = tpu.memref_slice %arg10[%multiple_of3A_1223] : memref<128xf32, #tpu.memory_space<hbm>> -> memref<16xf32, #tpu.memory_space<hbm>>
          %dma_start3A_1253 = tpu.memref_slice %arg10[%multiple_of3A_1223] : memref<128xf32, #tpu.memory_space<hbm>> -> memref<16xf32, #tpu.memory_space<hbm>>
          tpu.enqueue_dma source(%arg21 : memref<16xf32, #tpu.memory_space<vmem>>) target(%dma_start3A_1253 : memref<16xf32, #tpu.memory_space<hbm>>) target_semaphore(%run_scoped3A : memref<!tpu.dma_semaphore, #tpu.memory_space<semaphore_mem>>)
          %dma_wait3A_1254 = tpu.memref_slice %arg10[%multiple_of3A_1223] : memref<128xf32, #tpu.memory_space<hbm>> -> memref<16xf32, #tpu.memory_space<hbm>>
          %dma_wait3A_1255 = tpu.memref_slice %arg10[%multiple_of3A_1223] : memref<128xf32, #tpu.memory_space<hbm>> -> memref<16xf32, #tpu.memory_space<hbm>>
          tpu.wait_dma2 semaphore(%run_scoped3A : memref<!tpu.dma_semaphore, #tpu.memory_space<semaphore_mem>>) src(%arg21 : memref<16xf32, #tpu.memory_space<vmem>>) dst(%dma_wait3A_1255 : memref<16xf32, #tpu.memory_space<hbm>>)
          tpu.yield
        }) : () -> ()
      } else {
      }
    } else {
    }
    return
  }
}

</mosaic_0001>

<sc_bundles>
// kernel: kernel.3.cloned.1.call-start
scs
__scs_entry_jumppad:
0x0: {  	(pc) =	sbr.rel $0x88, $3  }
0x1: {  	(tag) =	ssettag $0x0;
	lr =	simm.s32 $0x1  }
0x2: {  	[smem:$0x3F98] =	sst lr;
	_ =	strace $0xD0000000  }
0x3: {  	_ = 	snop  }
0x4: {  	_ = 	snop  }
0x5: {  	_ = 	snop  }
0x6: {  	_ = 	snop  }
0x7: {  	_ = 	snop  }
__scs_overlays_trampoline_lowered:
0x8: {  	[smem:$0x3FA7] =	sst s0  }
0x9: {  	[smem:$0x3FA8] =	sst s1  }
0xa: {  	[smem:$0x3FA9] =	sst s2  }
0xb: {  	[smem:$0x3FAA] =	sst s3  }
0xc: {  	[smem:$0x3FAB] =	sst s4  }
0xd: {  	[smem:$0x3FAC] =	sst s5  }
0xe: {  	[smem:$0x3FAD] =	sst s6  }
0xf: {  	[smem:$0x3FAE] =	sst s7  }
0x10: {  	[smem:$0x3FAF] =	sst s8  }
0x11: {  	[smem:$0x3FB0] =	sst s9;
	s0 =	simm.s32 @!p0 $0x0  }
0x12: {  	s1 =	sld [smem:$0x3F96];
	s0 =	simm.s32 @p0 $0x1  }
0x13: {  	[smem:$0x3FB1] =	sst s0;
	s0 =	simm.s32 @!p1 $0x0  }
0x14: {  	s2 =	sld [smem:$0x3F95];
	s0 =	simm.s32 @p1 $0x1  }
0x15: {  	[smem:$0x3FB2] =	sst s0;
	s0 =	simm.s32 @!p2 $0x0  }
0x16: {  	s3 =	sld [smem:$0x3FDB];
	s0 =	simm.s32 @p2 $0x1  }
0x17: {  	s4 =	simm.s32 $0x1BF5;
	[smem:$0x3FB4] =	sst s0  }
0x18: {  	s0 =	sld [smem:$0x3F97];
	_ =	swait.ge [sflag:s4], $0x0  }
0x19: {  	s7 =	sld [smem:$0x3F98]  }
0x1a: {  	s8 =	sadd.s32 $0xFFFFE003, lr  }
0x1b: {  	s9 =	sadd.s32 $0xFFFFFEF7, lr;
	s5 =	simm.s32 $0xFFFFFFFF;
	p2 =	slt.u32 s8, $0xFFFFF086  }
0x1c: {  	p1 =	slt.u32 s9, $0xF7A;
	s5 =	simm.s32 @!p2 $0x0  }
0x1d: {  	s5 =	simm.s32 @p1 $0x1;
	p0 =	seq.s32 s7, s2  }
0x1e: {  	s7 =	smul.u32 @!p0 $0xF7A, s2;
	p2 =	seq.s32 @!p0 s5, $0x0  }
0x1f: {  	s9 =	smul.u32 $0xF7A, s1;
	s8 =	simm.s32 @!p0 $0x1BF5;
	p2 =	por !p2, p0  }
0x20: {  	[sflag:s8] =	ssyncset.s32 @!p0 $0xFFFFF086;
	s6 =	sadd.s32 @!p0 s3, s7;
	s7 =	simm.s32 @!p0 $0x108  }
0x21: {  	s3 =	sadd.s32 s3, s9;
	s6 =	sadd.s32 @!p0 $0x88, s6;
	s7 =	simm.s32 @p2 $0x1082  }
0x22: {  	[simem:s7], [sflag:s8] =	dma.local @!p0 [hbm:s6], $0xF7A  }
0x23: {  	s9 =	sor.u32 $0xD0000000, s2;
	s6 =	simm.s32 $0x108;
	_ =	swait.ge @!p0 [sflag:s8], $0x0  }
0x24: {  	s3 =	sadd.s32 $0x88, s3;
	s6 =	simm.s32 @!p1 $0x1082;
	[sflag:s4] =	ssyncset.s32 $0xFFFFF086  }
0x25: {  	[simem:s6], [sflag:s4] =	dma.local [hbm:s3], $0xF7A  }
0x26: {  	[smem:$0x3F98] =	sst s1;
	(tag) =	ssettag s2;
	_ =	strace s9  }
0x27: {  	s1 =	sld [smem:$0x3FA8]  }
0x28: {  	s2 =	sld [smem:$0x3FA9]  }
0x29: {  	s4 =	sld [smem:$0x3FAB]  }
0x2a: {  	p0 =	seq.s32 s5, $0x0;
	s5 =	sld [smem:$0x3FAC]  }
0x2b: {  	s6 =	sld [smem:$0x3FAD]  }
0x2c: {  	s7 =	sld [smem:$0x3FAE]  }
0x2d: {  	s3 =	simm.s32 $0x108;
	s8 =	sld [smem:$0x3FAF]  }
0x2e: {  	s3 =	simm.s32 @!p0 $0x1082;
	s9 =	sld [smem:$0x3FB0]  }
0x2f: {  	lr =	sadd.s32 s0, s3;
	s0 =	sld [smem:$0x3FA7]  }
0x30: {  	s3 =	sld [smem:$0x3FAA]  }
0x31: {  	[smem:$0x3FB3] =	sst s10  }
0x32: {  	s10 =	sld [smem:$0x3FB1];
	_ =	sdelay $0x3  }
0x33: {  	p0 =	seq.s32 s10, $0x1;
	s10 =	sld [smem:$0x3FB3];
	_ =	sdelay $0x3  }
0x34: {  	[smem:$0x3FB3] =	sst s10  }
0x35: {  	s10 =	sld [smem:$0x3FB2];
	_ =	sdelay $0x3  }
0x36: {  	p1 =	seq.s32 s10, $0x1;
	s10 =	sld [smem:$0x3FB3];
	_ =	sdelay $0x3  }
0x37: {  	[smem:$0x3FB3] =	sst s10  }
0x38: {  	s10 =	sld [smem:$0x3FB4]  }
0x39: {  	_ = 	snop;
	(pc) =	sbr.ind lr, $3  }
0x3a: {  	_ = 	snop  }
0x3b: {  	_ = 	snop  }
0x3c: {  	p2 =	seq.s32 s10, $0x1;
	s10 =	sld [smem:$0x3FB3]  }
0x3d: {  	_ =	shalt  }
0x3e: {  	_ =	shalt  }
0x3f: {  	_ =	shalt  }
0x40: {  	_ =	shalt  }
0x41: {  	_ =	shalt  }
0x42: {  	_ =	shalt  }
0x43: {  	_ =	shalt  }
0x44: {  	_ =	shalt  }
0x45: {  	_ =	shalt  }
0x46: {  	_ =	shalt  }
0x47: {  	_ =	shalt  }
0x48: {  	_ =	shalt  }
0x49: {  	_ =	shalt  }
0x4a: {  	_ =	shalt  }
0x4b: {  	_ =	shalt  }
0x4c: {  	_ =	shalt  }
0x4d: {  	_ =	shalt  }
0x4e: {  	_ =	shalt  }
0x4f: {  	_ =	shalt  }
0x50: {  	_ =	shalt  }
0x51: {  	_ =	shalt  }
0x52: {  	_ =	shalt  }
0x53: {  	_ =	shalt  }
0x54: {  	_ =	shalt  }
0x55: {  	_ =	shalt  }
0x56: {  	_ =	shalt  }
0x57: {  	_ =	shalt  }
0x58: {  	_ =	shalt  }
0x59: {  	_ =	shalt  }
0x5a: {  	_ =	shalt  }
0x5b: {  	_ =	shalt  }
0x5c: {  	_ =	shalt  }
0x5d: {  	_ =	shalt  }
0x5e: {  	_ =	shalt  }
0x5f: {  	_ =	shalt  }
0x60: {  	_ =	shalt  }
0x61: {  	_ =	shalt  }
0x62: {  	_ =	shalt  }
0x63: {  	_ =	shalt  }
0x64: {  	_ =	shalt  }
0x65: {  	_ =	shalt  }
0x66: {  	_ =	shalt  }
0x67: {  	_ =	shalt  }
0x68: {  	_ =	shalt  }
0x69: {  	_ =	shalt  }
0x6a: {  	_ =	shalt  }
0x6b: {  	_ =	shalt  }
0x6c: {  	_ =	shalt  }
0x6d: {  	_ =	shalt  }
0x6e: {  	_ =	shalt  }
0x6f: {  	_ =	shalt  }
0x70: {  	_ =	shalt  }
0x71: {  	_ =	shalt  }
0x72: {  	_ =	shalt  }
0x73: {  	_ =	shalt  }
0x74: {  	_ =	shalt  }
0x75: {  	_ =	shalt  }
0x76: {  	_ =	shalt  }
0x77: {  	_ =	shalt  }
0x78: {  	_ =	shalt  }
0x79: {  	_ =	shalt  }
0x7a: {  	_ =	shalt  }
0x7b: {  	_ =	shalt  }
0x7c: {  	_ =	shalt  }
0x7d: {  	_ =	shalt  }
0x7e: {  	_ =	shalt  }
0x7f: {  	_ =	shalt  }
0x80: {  	_ =	shalt  }
0x81: {  	_ =	shalt  }
0x82: {  	_ =	shalt  }
0x83: {  	_ =	shalt  }
0x84: {  	_ =	shalt  }
0x85: {  	_ =	shalt  }
0x86: {  	_ =	shalt  }
0x87: {  	_ =	shalt  }
.Lfunc_end0:
.L_simem_size_0:
called_computation_lowered:
.L_overlay_start_0:
0x88: {  	s0 =	sld [smem:$0x3FD9]  }
0x89: {  	s1 =	sld [smem:$0x3FFE];
	_ =	sdelay $0x3  }
0x8a: {  	s0 =	sadd.s32 s1, s0  }
0x8b: {  	[smem:$0x3FBF] =	sst s0  }
0x8c: {  	_ = 	snop  }
0x8d: {  	s0 =	sld [smem:$0x3FC9]  }
0x8e: {  	s16 =	sld [smem:$0x3FC8]  }
0x8f: {  	s2 =	sld [smem:$0x3FC7]  }
0x90: {  	s3 =	sld [smem:$0x3FC5]  }
0x91: {  	s4 =	sld [smem:$0x3FC4]  }
0x92: {  	s5 =	sld [smem:$0x3FC3]  }
0x93: {  	s6 =	sld [smem:$0x3FC1]  }
0x94: {  	s7 =	sld [smem:$0x3FD0];
	(tm) =	ssettm $0x1  }
0x95: {  	s8 =	sld [smem:$0x3FFB];
	_ =	sdelay $0x3  }
0x96: {  	_ =	strace s8  }
0x97: {  	s8 =	sld [smem:$0x3FFC];
	_ =	sdelay $0x3  }
0x98: {  	_ =	strace s8  }
0x99: {  	s8 =	sld [smem:$0x3FFD];
	_ =	sdelay $0x3  }
0x9a: {  	_ =	strace s8  }
0x9b: {  	_ =	strace $0x8FFFFFFF  }
0x9c: {  	s17 =	sld [smem:$0x3FDB];
	_ =	sdelay $0x1  }
0x9d: {  	s9 =	simm.s32 $_scs_section_size  }
0x9e: {  	s10 =	simm.s32 $_size__tile_overlayer_lowered;
	s11 =	simm.s32 $_tile_overlayer_lowered  }
0x9f: {  	s20 =	simm.s32 $0x1BFF;
	s19 =	sshll.u32 s11, $0x1;
	s8 =	sadd.s32 s9, s17  }
0xa0: {  	s12 =	simm.s32 $0x0;
	s18 =	sshll.u32 s10, $0x1;
	s10 =	sadd.s32 s19, s8  }
0xa1: {  	[timem:s12], [sflag:s20] =	dma.local [hbm:s10], s18  }
0xa2: {  	_ =	swait.ge [sflag:s20], s18  }
0xa3: {  	s9 =	ssub.s32 $0x0, s18;
	[sflag:s20] =	ssyncset.done $0x0  }
0xa4: {  	[sflag:s20] =	ssyncadd.s32 s9;
	_ =	sdelay $0x1  }
0xa5: {  	s21 =	simm.s32 $0x1B8B  }
0xa6: {  	_ =	swait.ge [sflag:s21], $0x1  }
0xa7: {  	[sflag:s21] =	ssyncset.done $0x0  }
0xa8: {  	s23 =	simm.s32 $0x1B8E;
	s22 =	sld [smem:$0x3FFE];
	[sflag:s21] =	ssyncadd.s32 $0xFFFFFFFF  }
0xa9: {  	s24 =	simm.s32 $execute0_lowered;
	[smem:$0x3FD2] =	sst s23  }
0xaa: {  	s10 =	sshll.u32 s24, $0x1;
	_ =	strace $0x80000046;
	[dreg:$0x1] =	wrdreg $0xFFFFFFFF  }
0xab: {  	s25 =	simm.s32 $_size_execute0_lowered;
	s8 =	sadd.s32 s8, s10;
	[dreg:$0x0] =	wrdreg $0x0  }
0xac: {  	s10 =	sshll.u32 s25, $0x1;
	[dreg:$0x2] =	wrdreg s8  }
0xad: {  	[dreg:$0x3] =	wrdreg s10  }
0xae: {  	[dreg:$0x4] =	wrdreg $0xC0  }
0xaf: {  	_ =	task [dreg:s12], $0x5FFFF  }
0xb0: {  	[dreg:$0x1] =	wrdreg $0xFFFFFFFF  }
0xb1: {  	[dreg:$0x0] =	wrdreg $0x60  }
0xb2: {  	[dreg:$0x2] =	wrdreg s2  }
0xb3: {  	[dreg:$0x3] =	wrdreg s5  }
0xb4: {  	[dreg:$0x4] =	wrdreg s0  }
0xb5: {  	[dreg:$0x5] =	wrdreg s16  }
0xb6: {  	[dreg:$0x6] =	wrdreg s4  }
0xb7: {  	[dreg:$0x7] =	wrdreg s22  }
0xb8: {  	[dreg:$0x8] =	wrdreg s3  }
0xb9: {  	[dreg:$0x9] =	wrdreg s6  }
0xba: {  	[dreg:$0xa] =	wrdreg s7  }
0xbb: {  	[dreg:$0xb] =	wrdreg $0x7DB00  }
0xbc: {  	[dreg:$0xc] =	wrdreg $0x7E300  }
0xbd: {  	[dreg:$0xd] =	wrdreg $0x9  }
0xbe: {  	_ =	task.clear_ibuf [dreg:s12], $0xEFFFF;
	_ =	strace $0x90000046  }
0xbf: {  	s26 =	simm.s32 $0x9;
	_ =	strace $0x80000048  }
0xc0: {  	_ =	swait.ge [sflag:s26], $0x1  }
0xc1: {  	[sflag:s26] =	ssyncadd.s32 $0xFFFFFFFF  }
0xc2: {  	_ =	strace $0x90000048  }
0xc3: {  	_ =	sfence  }
0xc4: {  	s28 =	sld [smem:$0x0];
	_ =	sdelay $0x1  }
0xc5: {  	s29 =	srdreg.scid  }
0xc6: {  	s30 =	sshll.u32 s29, $0xD;
	s31 =	sshrl.u32 s29, $0x2  }
0xc7: {  	s1 =	sand.u32 $0x1, s29;
	s2 =	sand.u32 $0x4000, s30;
	s0 =	sadd.s32 s31, s28  }
0xc8: {  	s1 =	sor.u32 s2, s1;
	s0 =	sshll.u32 s0, $0x11  }
0xc9: {  	s0 =	sor.u32 s0, s1  }
0xca: {  	s0 =	sadd.s32 $0x8F2B, s0  }
0xcb: {  	[sflag:s0] =	ssyncadd.remote.s32 $0x1  }
0xcc: {  	_ =	sfence.sel $0xFFFF  }
0xcd: {  	[dreg:$0x0] =	wrdreg $0xFFFFFFFF;
	(pc) =	sbr.abs _section_cstart, $3  }
0xce: {  	[dreg:$0x1] =	wrdreg $0xFFFFFFFF  }
0xcf: {  	_ =	task.clear_ibuf [dreg:s12], $0x2FFFF;
	_ =	strace $0x9FFFFFFF  }
0xd0: {  	(tm) =	ssettm $0x7FFFFFFF  }
0xd1: {  	_ =	shalt  }
tec
execute0_lowered:
.L_overlay_start_1:
0x0: {  	(tag) =	ssettag $0x1  }
0x1: {  	s3 =	rddreg [dreg:$0x0]  }
0x2: {  	s8 =	rddreg [dreg:$0x1]  }
0x3: {  	s9 =	rddreg [dreg:$0x2]  }
0x4: {  	s10 =	rddreg [dreg:$0x3]  }
0x5: {  	s11 =	rddreg [dreg:$0x4]  }
0x6: {  	s12 =	rddreg [dreg:$0x5]  }
0x7: {  	s6 =	rddreg [dreg:$0x6]  }
0x8: {  	s5 =	rddreg [dreg:$0x7]  }
0x9: {  	s1 =	rddreg [dreg:$0x8]  }
0xa: {  	s4 =	rddreg [dreg:$0x9]  }
0xb: {  	s2 =	rddreg [dreg:$0xa];
	s7 =	simm.s32 $0x0  }
0xc: {  	[smem:$0x7FF] =	sst s7  }
0xd: {  	s0 =	rddreg [dreg:$0xb];
	_ =	strace $0x80000047  }
0xe: {  	[tilespmem:s7], [sflag:$0x1] =	stream.linear.gather [hbm4b:s9+s7], $0x200, $0x38;
	[tilespmem:$0x7EB0] =	vst v63  }
0xf: {  	s20 =	simm.s32 $0x200  }
0x10: {  	[tilespmem:s20], [sflag:$0x1] =	stream.linear.gather [hbm4b:s3+s7], $0x1000, $0x38;
	[tilespmem:$0x7EB0] =	vst v63  }
0x11: {  	s21 =	simm.s32 $0x1200  }
0x12: {  	[tilespmem:s21], [sflag:$0x1] =	stream.linear.gather [hbm4b:s8+s7], $0x1000, $0x38;
	[tilespmem:$0x7EB0] =	vst v63  }
0x13: {  	s22 =	simm.s32 $0x2200  }
0x14: {  	[tilespmem:s22], [sflag:$0x1] =	stream.linear.gather [hbm4b:s10+s7], $0x8, $0x38;
	[tilespmem:$0x7EB0] =	vst v63  }
0x15: {  	s23 =	simm.s32 $0x2208  }
0x16: {  	[tilespmem:s23], [sflag:$0x1] =	stream.linear.gather [hbm4b:s11+s7], $0x8, $0x38;
	[tilespmem:$0x7EB0] =	vst v63  }
0x17: {  	s25 =	simm.s32 $0x2210;
	s26 =	simm.s32 $0x1;
	s24 =	sadd.s32 $0x400, s12  }
0x18: {  	[tilespmem:s25], [sflag:$0x1] =	stream.linear.gather [hbm4b:s24+s7], $0x10, $0x38;
	[tilespmem:$0x7EB0] =	vst v63  }
0x19: {  	_ =	swait.ge [sflag:s26], $0x200  }
0x1a: {  	[sflag:s26] =	ssyncset.done $0x0  }
0x1b: {  	[sflag:s26] =	ssyncadd.s32 $0xFFFFFE00  }
0x1c: {  	_ =	swait.ge [sflag:s26], $0x1000  }
0x1d: {  	[sflag:s26] =	ssyncset.done $0x0  }
0x1e: {  	[sflag:s26] =	ssyncadd.s32 $0xFFFFF000  }
0x1f: {  	_ =	swait.ge [sflag:s26], $0x1000  }
0x20: {  	[sflag:s26] =	ssyncset.done $0x0  }
0x21: {  	[sflag:s26] =	ssyncadd.s32 $0xFFFFF000  }
0x22: {  	_ =	swait.ge [sflag:s26], $0x8  }
0x23: {  	[sflag:s26] =	ssyncset.done $0x0  }
0x24: {  	[sflag:s26] =	ssyncadd.s32 $0xFFFFFFF8  }
0x25: {  	_ =	swait.ge [sflag:s26], $0x8  }
0x26: {  	[sflag:s26] =	ssyncset.done $0x0  }
0x27: {  	[sflag:s26] =	ssyncadd.s32 $0xFFFFFFF8  }
0x28: {  	_ =	swait.ge [sflag:s26], $0x10  }
0x29: {  	s28 =	sand.u32 $0xC00, s7;
	[sflag:s26] =	ssyncset.done $0x0  }
0x2a: {  	s29 =	sor.u32 s28, s7;
	[sflag:s26] =	ssyncadd.s32 $0xFFFFFFF0  }
0x2b: {  	s3 =	sor.u32 $0x180, s29;
	v0 =	vld [tilespmem:s7+$0x0]  }
0x2c: {  	s30 =	sand.u32 $0x70, s7;
	v1 =	vld [tilespmem:s3+$0x1200]  }
0x2d: {  	s8 =	sor.u32 s30, s28;
	v2 =	vld [tilespmem:s3+$0x200]  }
0x2e: {  	v3 =	vld [tilespmem:s8+$0x200]  }
0x2f: {  	v6 =	vld [tilespmem:s8+$0x280]  }
0x30: {  	v7 =	vld [tilespmem:s8+$0x1280]  }
0x31: {  	v8 =	vld [tilespmem:s8+$0x300]  }
0x32: {  	v10 =	vld [tilespmem:s8+$0x1300]  }
0x33: {  	v11 =	vld [tilespmem:s8+$0x400]  }
0x34: {  	v12 =	vld [tilespmem:s8+$0x1400]  }
0x35: {  	v9 =	vimm.f32 $0.0e+00;
	v5 =	vld [tilespmem:s8+$0x1200];
	v1 =	vmul.f32 v1, v0  }
0x36: {  	v16 =	vimm.f32 $0.0e+00;
	v2 =	vmul.f32 v2, v0;
	v3 =	vmul.f32 v3, v0  }
0x37: {  	v15 =	vimm.f32 $0.0e+00;
	v6 =	vmul.f32 v6, v0;
	v7 =	vmul.f32 v7, v0  }
0x38: {  	v13 =	vimm.f32 $0.0e+00;
	v8 =	vmul.f32 v8, v0;
	v10 =	vmul.f32 v10, v0  }
0x39: {  	v14 =	vimm.f32 $0.0e+00;
	v19 =	vld [tilespmem:s8+$0x480];
	v22 =	vmul.f32 v11, v0;
	v23 =	vmul.f32 v12, v0  }
0x3a: {  	v17 =	vld [tilespmem:s8+$0x1480];
	v4 =	vadd.f32 v1, v9;
	v1 =	vmul.f32 v5, v0;
	v5 =	vadd.f32 v2, v9  }
0x3b: {  	s31 =	sor.u32 s7, s7;
	s12 =	simm.s32 $0x10;
	s9 =	simm.s32 $0x80;
	v18 =	vld [tilespmem:s8+$0x500];
	v12 =	vimm.f32 $0.0e+00;
	v2 =	vadd.f32 v3, v9;
	v3 =	vadd.f32 v6, v9  }
0x3c: {  	s13 =	sand.u32 $0x70, s12;
	s14 =	sand.u32 $0xC00, s9;
	s10 =	sor.u32 $0x380, s31;
	v20 =	vld [tilespmem:s8+$0x1500];
	v11 =	vimm.f32 $0.0e+00;
	v6 =	vadd.f32 v7, v9;
	v7 =	vadd.f32 v8, v9  }
0x3d: {  	s11 =	simm.s32 $0x20;
	s3 =	stileid.u32;
	s8 =	sor.u32 s9, s12;
	v21 =	vld [tilespmem:s10+$0x200];
	v8 =	vadd.f32 v10, v9;
	v10 =	vimm.f32 $0.0e+00;
	v1 =	vadd.f32 v1, v9  }
.LBB2_1:
0x3e: {  	p0 =	sne.s32 s11, $0x1F0;
	s12 =	sor.u32 s14, s12;
	v9 =	vadd.f32 v22, v9;
	v19 =	vmul.f32 v19, v0;
	v22 =	vld [tilespmem:s10+$0x1200];
	s7 =	sadd.s32 $0x10, s7  }
0x3f: {  	s14 =	sor.u32 s13, s14;
	s10 =	sor.u32 $0x380, s8;
	v24 =	vld [tilespmem:s7+$0x0];
	s13 =	sor.u32 $0x180, s12;
	v12 =	vadd.f32 v23, v12;
	v17 =	vmul.f32 v17, v0  }
0x40: {  	s12 =	smov.u32 s11;
	v23 =	vld [tilespmem:s13+$0x1200];
	v16 =	vadd.f32 v19, v16;
	v18 =	vmul.f32 v18, v0  }
0x41: {  	v19 =	vld [tilespmem:s13+$0x200];
	v15 =	vadd.f32 v17, v15;
	v17 =	vmul.f32 v20, v0  }
0x42: {  	v20 =	vld [tilespmem:s14+$0x200];
	v10 =	vadd.f32 v18, v10;
	v18 =	vmul.f32 v21, v0  }
0x43: {  	v21 =	vld [tilespmem:s14+$0x1200];
	v13 =	vadd.f32 v17, v13;
	v17 =	vmul.f32 v22, v0  }
0x44: {  	v22 =	vld [tilespmem:s14+$0x280];
	v14 =	vadd.f32 v18, v14;
	v0 =	vmov v24  }
0x45: {  	v18 =	vld [tilespmem:s14+$0x1280];
	v23 =	vmul.f32 v23, v0;
	v11 =	vadd.f32 v17, v11  }
0x46: {  	v17 =	vld [tilespmem:s14+$0x300];
	v19 =	vmul.f32 v19, v0  }
0x47: {  	v20 =	vmul.f32 v20, v0;
	v24 =	vld [tilespmem:s14+$0x1300];
	v4 =	vadd.f32 v23, v4  }
0x48: {  	v21 =	vmul.f32 v21, v0;
	v5 =	vadd.f32 v19, v5;
	v23 =	vld [tilespmem:s14+$0x400]  }
0x49: {  	v2 =	vadd.f32 v20, v2;
	v20 =	vmul.f32 v22, v0;
	v25 =	vld [tilespmem:s14+$0x1400]  }
.Ltmp0:
0x4a: {  	v1 =	vadd.f32 v21, v1;
	v18 =	vmul.f32 v18, v0;
	v19 =	vld [tilespmem:s14+$0x480];
	(pc) =	sbr.rel @p0 .LBB2_1-.Ltmp0, $4  }
0x4b: {  	v3 =	vadd.f32 v20, v3;
	v20 =	vmul.f32 v17, v0;
	v17 =	vld [tilespmem:s14+$0x1480]  }
0x4c: {  	v6 =	vadd.f32 v18, v6;
	v21 =	vmul.f32 v24, v0;
	v18 =	vld [tilespmem:s14+$0x500]  }
0x4d: {  	s9 =	sadd.s32 $0x80, s9;
	s13 =	sand.u32 $0x70, s11;
	v7 =	vadd.f32 v20, v7;
	v22 =	vmul.f32 v23, v0;
	v20 =	vld [tilespmem:s14+$0x1500]  }
0x4e: {  	s8 =	sor.u32 s9, s12;
	s11 =	sadd.s32 $0x10, s11;
	s14 =	sand.u32 $0xC00, s9;
	v8 =	vadd.f32 v21, v8;
	v23 =	vmul.f32 v25, v0;
	v21 =	vld [tilespmem:s10+$0x200]  }
0x4f: {  	v24 =	vld [tilespmem:s10+$0x1200];
	s7 =	sadd.s32 $0x10, s7  }
0x50: {  	s29 =	sor.u32 s13, s14;
	v25 =	vld [tilespmem:s7+$0x0]  }
0x51: {  	v28 =	vld [tilespmem:s29+$0x200]  }
0x52: {  	s9 =	sor.u32 s14, s12;
	v39 =	vimm.s32 $0x10FEDCBA;
	v29 =	vld [tilespmem:s29+$0x1200]  }
0x53: {  	v19 =	vmul.f32 v19, v0;
	v9 =	vadd.f32 v22, v9;
	v40 =	vimm.s32 $0x98765432;
	s9 =	sor.u32 $0x180, s9;
	v63 =	vld [tilespmem:s29+$0x300]  }
0x54: {  	v44 =	vimm.s32 $0xFEDCBA9;
	v45 =	vimm.s32 $0x87654321;
	v17 =	vmul.f32 v17, v0;
	v26 =	vld [tilespmem:s9+$0x1200]  }
0x55: {  	v27 =	vld [tilespmem:s9+$0x200];
	v16 =	vadd.f32 v19, v16;
	v18 =	vmul.f32 v18, v0;
	v19 =	vunpack.c.l.s4.s8 v40  }
0x56: {  	v12 =	vadd.f32 v23, v12;
	v31 =	vld [tilespmem:s29+$0x1300];
	v15 =	vadd.f32 v17, v15;
	v61 =	vmul.f32 v20, v0  }
0x57: {  	v59 =	vld [tilespmem:s29+$0x280];
	v62 =	vmul.f32 v21, v0;
	v10 =	vadd.f32 v18, v10;
	v19 =	vunpack.c.0.s8.s32 v19  }
0x58: {  	v60 =	vld [tilespmem:s29+$0x1280];
	v0 =	vmul.f32 v24, v0;
	v13 =	vadd.f32 v61, v13;
	v33 =	vmul.f32 v29, v25  }
0x59: {  	v34 =	vld [tilespmem:s29+$0x1400];
	v14 =	vadd.f32 v62, v14;
	v21 =	vmul.f32 v63, v25;
	v30 =	vmul.f32 v26, v25  }
0x5a: {  	v32 =	vmul.f32 v27, v25;
	v0 =	vadd.f32 v0, v11;
	v11 =	vmul.f32 v28, v25  }
0x5b: {  	v41 =	vld [tilespmem:s29+$0x1500];
	v20 =	vadd.f32 v33, v1;
	v1 =	vmul.f32 v31, v25;
	v21 =	vadd.f32 v21, v7  }
0x5c: {  	v18 =	vadd.f32 v30, v4;
	v4 =	vld [tilespmem:s29+$0x400];
	v17 =	vadd.f32 v32, v5;
	v5 =	vmul.f32 v59, v25  }
0x5d: {  	s8 =	sor.u32 $0x380, s8;
	v35 =	vld [tilespmem:s29+$0x480];
	v2 =	vadd.f32 v11, v2;
	v11 =	vmul.f32 v60, v25;
	v8 =	vadd.f32 v1, v8  }
0x5e: {  	v42 =	vld [tilespmem:s8+$0x200];
	v1 =	vimm.s32 $0xFEDCBA98;
	v36 =	vadd.f32 v5, v3;
	v5 =	vmul.f32 v34, v25  }
0x5f: {  	v7 =	vld [tilespmem:s29+$0x500];
	v11 =	vadd.f32 v11, v6;
	v6 =	vimm.s32 $0x76543210;
	v1 =	vunpack.c.l.s4.s8 v1  }
0x60: {  	v22 =	vmul.f32 v41, v25;
	v3 =	vld [tilespmem:s29+$0x1480];
	v6 =	vunpack.c.l.s4.s8 v6;
	v12 =	vadd.f32 v5, v12  }
0x61: {  	v1 =	vunpack.c.0.s8.s32 v1;
	v5 =	vimm.s32 $0x3210FEDC;
	v4 =	vmul.f32 v4, v25  }
0x62: {  	v6 =	vunpack.c.0.s8.s32 v6;
	v37 =	vunpack.c.l.s4.s8 v5;
	v5 =	vimm.s32 $0xBA987654  }
0x63: {  	v23 =	vmul.f32 v42, v25;
	v1 =	vand.u32 $0xF, v1;
	v38 =	vunpack.c.l.s4.s8 v5  }
0x64: {  	v9 =	vadd.f32 v4, v9;
	v4 =	vmul.f32 v35, v25;
	v1 =	vcombine.low v1, v6  }
0x65: {  	v13 =	vadd.f32 v22, v13;
	v7 =	vmul.f32 v7, v25;
	v3 =	vmul.f32 v3, v25  }
0x66: {  	v6 =	vunpack.c.0.s8.s32 v38;
	v5 =	vadd.f32 v4, v16;
	v43 =	vperm.xlane v2, v1  }
0x67: {  	v4 =	vunpack.c.0.s8.s32 v37;
	v46 =	vperm.xlane v11, v1;
	v51 =	vperm.xlane v36, v1  }
0x68: {  	v16 =	vunpack.c.l.s4.s8 v39;
	v54 =	vperm.xlane v8, v1;
	v58 =	vperm.xlane v21, v1  }
0x69: {  	v15 =	vadd.f32 v3, v15;
	v62 =	vperm.xlane v18, v1;
	v26 =	vperm.xlane v17, v1  }
0x6a: {  	v32 =	vperm.xlane v12, v1;
	v3 =	vcombine.low v6, v4;
	v6 =	vadd.f32 v7, v10  }
0x6b: {  	v38 =	vperm.xlane v9, v1;
	v10 =	vadd.f32 v43, v2;
	v11 =	vadd.f32 v46, v11  }
0x6c: {  	v4 =	vperm.xlane v20, v1;
	v8 =	vadd.f32 v54, v8;
	v61 =	vadd.f32 v58, v21  }
0x6d: {  	v16 =	vunpack.c.0.s8.s32 v16;
	v18 =	vadd.f32 v62, v18;
	v17 =	vadd.f32 v26, v17  }
0x6e: {  	v12 =	vadd.f32 v32, v12;
	v33 =	vperm.xlane v15, v1;
	v9 =	vadd.f32 v38, v9  }
0x6f: {  	v46 =	vperm.xlane v5, v1;
	v4 =	vadd.f32 v4, v20;
	v3 =	vand.u32 $0xF, v3  }
0x70: {  	v7 =	vld [tilespmem:s8+$0x1200];
	v2 =	vcombine.low v19, v16;
	v16 =	vunpack.c.l.s4.s8 v44;
	v49 =	vperm.xlane v10, v3  }
0x71: {  	v19 =	vunpack.c.l.s4.s8 v45;
	v52 =	vperm.xlane v11, v3;
	v60 =	vperm.xlane v8, v3  }
0x72: {  	v15 =	vadd.f32 v33, v15;
	v28 =	vperm.xlane v18, v3;
	v30 =	vperm.xlane v17, v3  }
0x73: {  	v5 =	vadd.f32 v46, v5;
	v35 =	vperm.xlane v12, v3;
	v43 =	vperm.xlane v9, v3  }
0x74: {  	v20 =	vperm.xlane v4, v3;
	v2 =	vand.u32 $0xF, v2;
	v16 =	vunpack.c.0.s8.s32 v16  }
0x75: {  	v47 =	vmul.f32 v7, v25;
	v7 =	vadd.f32 v23, v14;
	v10 =	vadd.f32 v49, v10  }
0x76: {  	v19 =	vunpack.c.0.s8.s32 v19;
	v11 =	vadd.f32 v52, v11;
	v4 =	vadd.f32 v20, v4  }
0x77: {  	v8 =	vadd.f32 v60, v8;
	v23 =	vperm.xlane v61, v3;
	v18 =	vadd.f32 v28, v18  }
0x78: {  	v17 =	vadd.f32 v30, v17;
	v12 =	vadd.f32 v35, v12;
	v48 =	vperm.xlane v4, v2  }
0x79: {  	v9 =	vadd.f32 v43, v9;
	v52 =	vperm.xlane v5, v3;
	v16 =	vcombine.low v19, v16  }
0x7a: {  	v20 =	vadd.f32 v51, v36;
	v57 =	vperm.xlane v11, v2;
	v50 =	vadd.f32 v48, v4  }
0x7b: {  	v36 =	vperm.xlane v13, v1;
	v22 =	vadd.f32 v47, v0;
	v4 =	vand.u32 $0xF, v16  }
0x7c: {  	v0 =	vld [tilespmem:$0x2200];
	v25 =	vperm.xlane v8, v2;
	v11 =	vadd.f32 v57, v11;
	v53 =	vperm.xlane v50, v4  }
0x7d: {  	v55 =	vperm.xlane v10, v2;
	v27 =	vadd.f32 v23, v61;
	v31 =	vperm.xlane v18, v2  }
0x7e: {  	v8 =	vadd.f32 v25, v8;
	v24 =	vperm.xlane v11, v4;
	v14 =	vadd.f32 v53, v50  }
0x7f: {  	v39 =	vperm.xlane v12, v2;
	v5 =	vadd.f32 v52, v5;
	v13 =	vadd.f32 v36, v13  }
0x80: {  	v29 =	vperm.xlane v8, v4;
	v11 =	vadd.f32 v24, v11;
	(v2sf) =	vpush v14, $0x0  }
0x81: {  	v49 =	vperm.xlane v9, v2;
	v10 =	vadd.f32 v55, v10;
	(v2sf) =	vpush v0, $0x8  }
0x82: {  	v37 =	vperm.xlane v22, v1;
	v8 =	vadd.f32 v29, v8;
	(v2sf) =	vpush v11, $0x0  }
0x83: {  	v16 =	vadd.f32 v31, v18;
	v18 =	vperm.xlane v15, v3;
	(v2sf) =	vpush v0, $0x9  }
0x84: {  	v12 =	vadd.f32 v39, v12;
	(v2sf) =	vpush v8, $0x0;
	v8 =	vperm.xlane v17, v2  }
0x85: {  	v56 =	vperm.xlane v20, v3;
	v9 =	vadd.f32 v49, v9;
	v15 =	vadd.f32 v18, v15  }
0x86: {  	v40 =	vperm.xlane v13, v3;
	v8 =	vadd.f32 v8, v17;
	v17 =	vadd.f32 v37, v22  }
0x87: {  	v55 =	vperm.xlane v6, v1;
	v59 =	vadd.f32 v56, v20;
	v41 =	vperm.xlane v15, v2  }
0x88: {  	v34 =	vperm.xlane v16, v4;
	v13 =	vadd.f32 v40, v13;
	v42 =	vperm.xlane v17, v3  }
0x89: {  	v44 =	vperm.xlane v12, v4;
	v6 =	vadd.f32 v55, v6;
	v15 =	vadd.f32 v41, v15  }
0x8a: {  	v16 =	vadd.f32 v34, v16;
	v45 =	vperm.xlane v13, v2;
	v17 =	vadd.f32 v42, v17  }
0x8b: {  	v12 =	vadd.f32 v44, v12;
	v47 =	vperm.xlane v15, v4;
	(v2sf) =	vpush v0, $0xA  }
0x8c: {  	v13 =	vadd.f32 v45, v13;
	(v2sf) =	vpush v16, $0x0;
	v48 =	vperm.xlane v17, v2  }
0x8d: {  	v58 =	vperm.xlane v5, v2;
	v50 =	vadd.f32 v47, v15;
	(v2sf) =	vpush v0, $0xB  }
0x8e: {  	v51 =	vperm.xlane v13, v4;
	(v2sf) =	vpush v12, $0x0;
	v16 =	vadd.f32 v48, v17  }
0x8f: {  	v5 =	vadd.f32 v58, v5;
	v63 =	vperm.xlane v59, v2;
	(v2sf) =	vpush v0, $0xC  }
0x90: {  	v53 =	vadd.f32 v51, v13;
	(v2sf) =	vpush v50, $0x0;
	v54 =	vperm.xlane v16, v4  }
0x91: {  	v56 =	vperm.xlane v10, v4;
	v14 =	vadd.f32 v63, v59;
	(v2sf) =	vpush v0, $0xD  }
0x92: {  	v11 =	vperm.xlane v27, v2;
	(v2sf) =	vpush v53, $0x0;
	v57 =	vadd.f32 v54, v16  }
0x93: {  	v1 =	vperm.xlane v7, v1;
	v10 =	vadd.f32 v56, v10;
	(v2sf) =	vpush v0, $0xE  }
0x94: {  	v59 =	vperm.xlane v14, v4;
	v11 =	vadd.f32 v11, v27;
	(v2sf) =	vpush v57, $0x0  }
0x95: {  	v1 =	vadd.f32 v1, v7;
	v60 =	vperm.xlane v6, v3;
	s30 =	spop (v2sf);
	(v2sf) =	vpush v0, $0xF  }
0x96: {  	v61 =	vperm.xlane v11, v4;
	s31 =	spop (v2sf);
	(v2sf) =	vpush v10, $0x0;
	v10 =	vadd.f32 v59, v14  }
0x97: {  	v6 =	vadd.f32 v60, v6;
	v3 =	vperm.xlane v1, v3;
	s15 =	spop (v2sf);
	(v2sf) =	vpush v0, $0x0  }
0x98: {  	v62 =	vperm.xlane v8, v4;
	s16 =	spop (v2sf);
	(v2sf) =	vpush v10, $0x0;
	v10 =	vadd.f32 v61, v11  }
0x99: {  	v7 =	vperm.xlane v9, v4;
	v1 =	vadd.f32 v3, v1;
	s17 =	spop (v2sf);
	(v2sf) =	vpush v0, $0x1  }
0x9a: {  	v8 =	vadd.f32 v62, v8;
	s18 =	spop (v2sf);
	v11 =	vperm.xlane v6, v2;
	(v2sf) =	vpush v10, $0x0  }
0x9b: {  	v7 =	vadd.f32 v7, v9;
	s19 =	spop (v2sf);
	v2 =	vperm.xlane v1, v2;
	(v2sf) =	vpush v0, $0x2  }
0x9c: {  	s20 =	spop (v2sf);
	v6 =	vadd.f32 v11, v6;
	v10 =	vperm.xlane v5, v4;
	(v2sf) =	vpush v8, $0x0  }
0x9d: {  	s21 =	spop (v2sf);
	v1 =	vadd.f32 v2, v1;
	(v2sf) =	vpush v0, $0x3  }
0x9e: {  	s22 =	spop (v2sf);
	v3 =	vperm.xlane v6, v4;
	v5 =	vadd.f32 v10, v5;
	(v2sf) =	vpush v7, $0x0  }
0x9f: {  	s9 =	spop (v2sf);
	(v2sf) =	vpush v0, $0x4  }
0xa0: {  	s13 =	spop (v2sf);
	v2 =	vperm.xlane v1, v4;
	v3 =	vadd.f32 v3, v6;
	(v2sf) =	vpush v5, $0x0  }
0xa1: {  	s8 =	spop (v2sf);
	(v2sf) =	vpush v0, $0x5  }
0xa2: {  	s10 =	spop (v2sf);
	v1 =	vadd.f32 v2, v1;
	(v2sf) =	vpush v3, $0x0  }
0xa3: {  	p1 =	sgt.f32 s30, s31;
	s11 =	spop (v2sf);
	(v2sf) =	vpush v0, $0x6  }
0xa4: {  	p3 =	sgt.f32 s15, s16;
	s12 =	spop (v2sf);
	(v2sf) =	vpush v1, $0x0  }
0xa5: {  	s7 =	sand.u32 $0x3, s3;
	p6 =	sgt.f32 s17, s18;
	s23 =	spop (v2sf)  }
0xa6: {  	s15 =	simm.s32 $0x10;
	p4 =	sgt.f32 s19, s20;
	(v2sf) =	vpush v0, $0x7;
	s24 =	spop (v2sf)  }
0xa7: {  	s17 =	simm.s32 $0x20;
	p0 =	sgt.f32 s21, s22;
	s25 =	spop (v2sf)  }
0xa8: {  	s21 =	simm.s32 $0x80;
	s15 =	simm.s32 @!p4 $0x0;
	s26 =	spop (v2sf)  }
0xa9: {  	p5 =	sgt.f32 s23, s24;
	s23 =	simm.s32 $0x40;
	s28 =	spop (v2sf)  }
0xaa: {  	s21 =	simm.s32 @!p1 $0x0;
	s23 =	simm.s32 @!p3 $0x0;
	s29 =	spop (v2sf)  }
0xab: {  	p2 =	sgt.f32 s25, s26;
	s25 =	sshll.u32 s7, $0x18;
	s14 =	spop (v2sf)  }
0xac: {  	s26 =	sshll.u32 s3, $0x8;
	p1 =	sgt.f32 s28, s29;
	s16 =	spop (v2sf)  }
0xad: {  	s18 =	spop (v2sf);
	p3 =	sgt.f32 s14, s16;
	s14 =	simm.s32 $0x20  }
0xae: {  	s17 =	simm.s32 @!p1 $0x0;
	p1 =	sgt.f32 s11, s12;
	s19 =	spop (v2sf)  }
0xaf: {  	s14 =	simm.s32 @!p6 $0x0;
	s20 =	spop (v2sf);
	p6 =	sgt.f32 s18, s19  }
0xb0: {  	s19 =	simm.s32 $0x80;
	s18 =	sand.u32 $0xC00, s26;
	s22 =	spop (v2sf)  }
0xb1: {  	s19 =	simm.s32 @!p5 $0x0;
	s29 =	sor.u32 s18, s25;
	s30 =	spop (v2sf)  }
0xb2: {  	p4 =	sgt.f32 s20, s22;
	s20 =	simm.s32 $0x40;
	s31 =	spop (v2sf)  }
0xb3: {  	s18 =	simm.s32 $0x1;
	s20 =	simm.s32 @!p2 $0x0;
	s24 =	spop (v2sf)  }
0xb4: {  	p5 =	sgt.f32 s30, s31;
	s30 =	sor.u32 s21, s23;
	s21 =	simm.s32 $0x10  }
0xb5: {  	s19 =	sor.u32 s19, s20;
	s20 =	simm.s32 $0x8;
	s28 =	spop (v2sf)  }
0xb6: {  	s21 =	simm.s32 @!p3 $0x0;
	s20 =	simm.s32 @!p6 $0x0;
	s17 =	sor.u32 s17, s19  }
0xb7: {  	s19 =	simm.s32 $0x4;
	p2 =	sgt.f32 s24, s28;
	s17 =	sor.u32 s21, s17  }
0xb8: {  	s19 =	simm.s32 @!p4 $0x0;
	s21 =	simm.s32 $0x2;
	s17 =	sor.u32 s20, s17  }
0xb9: {  	s22 =	simm.s32 $0x20000;
	s21 =	simm.s32 @!p5 $0x0;
	s17 =	sor.u32 s19, s17  }
0xba: {  	s31 =	simm.s32 $0x80;
	s18 =	simm.s32 @!p2 $0x0;
	s17 =	sor.u32 s21, s17  }
0xbb: {  	s14 =	sor.u32 s14, s30;
	s19 =	simm.s32 $0x8;
	s17 =	sadd.s32 s18, s17  }
0xbc: {  	s14 =	sor.u32 s15, s14;
	s19 =	simm.s32 @!p0 $0x0;
	s18 =	sshll.u32 s17, $0x9  }
0xbd: {  	p0 =	sgt.f32 s9, s13;
	s15 =	sshll.u32 s17, $0x7;
	s9 =	sand.u32 $0x7FFFF000, s18  }
0xbe: {  	s23 =	simm.s32 $0x2220;
	s15 =	sand.u32 $0x380, s15;
	s9 =	sadd.s32 s29, s9  }
0xbf: {  	s13 =	simm.s32 $0x4;
	s14 =	sor.u32 s19, s14;
	s19 =	sor.u32 s15, s9  }
0xc0: {  	s13 =	simm.s32 @!p0 $0x0;
	p0 =	sgt.f32 s8, s10;
	s21 =	sshrl.u32 s19, $0x3  }
0xc1: {  	s13 =	sor.u32 s13, s14;
	s9 =	simm.s32 $0x2;
	s10 =	sadd.s32 s6, s21  }
0xc2: {  	[tilespmem:s23], [sflag:$0x2] =	stream.strided.gather [hbm4b:s10+s31], $0x2400, s22, s31, $0x38;
	[tilespmem:$0x7EB0] =	vst v63  }
0xc3: {  	s9 =	simm.s32 @!p0 $0x0;
	s8 =	sadd.s32 $0x900000, s19;
	s10 =	simm.s32 $0x1  }
0xc4: {  	s9 =	sor.u32 s9, s13;
	s8 =	sshrl.u32 s8, $0x3;
	s10 =	simm.s32 @!p1 $0x0  }
0xc5: {  	s25 =	simm.s32 $0x4620;
	s24 =	sadd.s32 s6, s8;
	s9 =	sadd.s32 s10, s9  }
0xc6: {  	[tilespmem:s25], [sflag:$0x3] =	stream.strided.gather [hbm4b:s24+s31], $0x1C80, s22, s31, $0x38;
	[tilespmem:$0x7EB0] =	vst v63  }
0xc7: {  	s26 =	sshll.u32 s9, $0x7  }
0xc8: {  	s28 =	sshll.u32 s3, $0x14;
	s9 =	sand.u32 $0x7FFFFC00, s26  }
0xc9: {  	s6 =	sand.u32 $0x380, s26;
	s8 =	sadd.s32 s28, s9  }
0xca: {  	s6 =	sor.u32 s6, s8  }
0xcb: {  	s6 =	sshrl.u32 s6, $0x3  }
0xcc: {  	s30 =	simm.s32 $0x62A0;
	s29 =	simm.s32 $0x8000;
	s5 =	sadd.s32 s5, s6  }
0xcd: {  	[tilespmem:s30], [sflag:$0x4] =	stream.strided.gather [hbm4b:s5+s31], $0x1080, s29, s31, $0x38;
	[tilespmem:$0x7EB0] =	vst v63  }
0xce: {  	v0 =	vld [tilespmem:$0x2210];
	_ =	sdelay $0x4  }
0xcf: {  	(v2sf) =	vpush v0, $0x0;
	_ =	sdelay $0xe  }
0xd0: {  	s31 =	simm.s32 $0x2;
	s6 =	spop (v2sf)  }
0xd1: {  	_ =	swait.ge [sflag:s31], $0x2400  }
0xd2: {  	[sflag:s31] =	ssyncset.done $0x0  }
0xd3: {  	[sflag:s31] =	ssyncadd.s32 $0xFFFFDC00  }
0xd4: {  	v1 =	vld [tilespmem:$0x2220]  }
0xd5: {  	v2 =	vld [tilespmem:$0x2230]  }
0xd6: {  	v3 =	vld [tilespmem:$0x2240]  }
0xd7: {  	v4 =	vld [tilespmem:$0x2250]  }
0xd8: {  	v9 =	vld [tilespmem:$0x2260]  }
0xd9: {  	v10 =	vld [tilespmem:$0x2270]  }
0xda: {  	v11 =	vld [tilespmem:$0x2280]  }
0xdb: {  	p0 =	seq.s32 s7, $0x0;
	v63 =	vld [tilespmem:$0x2290]  }
0xdc: {  	s6 =	simm.s32 @!p0 $0x0  }
0xdd: {  	v8 =	vmul.f32 s6, v1;
	v7 =	vmul.f32 s6, v2  }
0xde: {  	v5 =	vmul.f32 s6, v3;
	v6 =	vmul.f32 s6, v4  }
0xdf: {  	s5 =	sshll.u32 s7, $0x7;
	v4 =	vmul.f32 s6, v9;
	v3 =	vmul.f32 s6, v10  }
0xe0: {  	s8 =	simm.s32 $0x0;
	s7 =	simm.s32 $0x2310;
	v2 =	vmul.f32 s6, v11;
	v9 =	vmul.f32 s6, v63;
	s6 =	simm.s32 $0x0;
	v1 =	vmov s5  }
.LBB2_3:
0xe1: {  	_ =	sdelay $0x2  }
0xe2: {  	s9 =	sshll.u32 s8, $0x4  }
0xe3: {  	v10 =	vld.idx.msk [tilespmem:v1+s9+$0x0 ss:$0x1], $0xffff;
	_ =	sdelay $0x2  }
0xe4: {  	v12 =	vld [tilespmem:s7+$0x0]  }
0xe5: {  	v14 =	vld [tilespmem:s7+$0xFFFFFF90]  }
0xe6: {  	v15 =	vld [tilespmem:s7+$0xFFFFFFA0];
	v10 =	vmax.f32 v10, $1.000000050e-03  }
0xe7: {  	v11 =	vmov s6;
	v18 =	vld [tilespmem:s7+$0xFFFFFFB0];
	v10 =	vmin.f32 v10, $9.990000120e-01  }
0xe8: {  	v16 =	vld [tilespmem:s7+$0xFFFFFFC0];
	v11 =	vperm.xlane v10, v11  }
0xe9: {  	v13 =	vld [tilespmem:s7+$0xFFFFFFD0]  }
0xea: {  	v19 =	vmul.f32 v12, v11;
	v20 =	vmul.f32 v14, v11;
	v12 =	vld [tilespmem:s7+$0xFFFFFFE0]  }
0xeb: {  	s9 =	sadd.s32 $0x80, s7;
	v17 =	vmul.f32 v15, v11;
	v14 =	vld [tilespmem:s7+$0xFFFFFFF0]  }
0xec: {  	s10 =	simm.s32 $0x1;
	s11 =	simm.s32 $0x2;
	v15 =	vld [tilespmem:s9+$0x0];
	v18 =	vmul.f32 v18, v11;
	v9 =	vadd.f32 v19, v9;
	v8 =	vadd.f32 v20, v8  }
.LBB2_4:
0xed: {  	p0 =	sne.s32 s11, $0xF;
	v19 =	vld [tilespmem:s9+$0xFFFFFF90];
	v7 =	vadd.f32 v17, v7;
	v16 =	vmul.f32 v16, v11  }
0xee: {  	v17 =	vmov s10;
	s10 =	smov.u32 s11;
	v20 =	vld [tilespmem:s9+$0xFFFFFFA0];
	v5 =	vadd.f32 v18, v5;
	v13 =	vmul.f32 v13, v11  }
0xef: {  	v17 =	vperm.xlane v10, v17;
	v18 =	vld [tilespmem:s9+$0xFFFFFFB0];
	v6 =	vadd.f32 v16, v6;
	v12 =	vmul.f32 v12, v11  }
.Ltmp1:
0xf0: {  	v16 =	vld [tilespmem:s9+$0xFFFFFFC0];
	v4 =	vadd.f32 v13, v4;
	v14 =	vmul.f32 v14, v11;
	(pc) =	sbr.rel @p0 .LBB2_4-.Ltmp1, $4  }
0xf1: {  	v11 =	vmov v17;
	v13 =	vld [tilespmem:s9+$0xFFFFFFD0];
	v15 =	vmul.f32 v15, v17;
	v3 =	vadd.f32 v12, v3  }
0xf2: {  	v19 =	vmul.f32 v19, v11;
	v12 =	vld [tilespmem:s9+$0xFFFFFFE0];
	v2 =	vadd.f32 v14, v2  }
0xf3: {  	v17 =	vmul.f32 v20, v11;
	v14 =	vld [tilespmem:s9+$0xFFFFFFF0];
	v9 =	vadd.f32 v15, v9;
	s9 =	sadd.s32 $0x80, s9  }
0xf4: {  	s11 =	sadd.s32 $0x1, s11;
	v15 =	vld [tilespmem:s9+$0x0];
	v8 =	vadd.f32 v19, v8;
	v18 =	vmul.f32 v18, v11  }
0xf5: {  	v19 =	vld [tilespmem:s9+$0xFFFFFF90]  }
0xf6: {  	v20 =	vld [tilespmem:s9+$0xFFFFFFA0]  }
0xf7: {  	v21 =	vld [tilespmem:s9+$0xFFFFFFB0]  }
0xf8: {  	v22 =	vld [tilespmem:s9+$0xFFFFFFC0]  }
0xf9: {  	v16 =	vmul.f32 v16, v11;
	v56 =	vmov s10;
	v23 =	vld [tilespmem:s9+$0xFFFFFFD0];
	v13 =	vmul.f32 v13, v11  }
0xfa: {  	v7 =	vadd.f32 v17, v7;
	v57 =	vld [tilespmem:s9+$0xFFFFFFE0];
	v10 =	vperm.xlane v10, v56;
	v12 =	vmul.f32 v12, v11  }
0xfb: {  	v58 =	vld [tilespmem:s9+$0xFFFFFFF0];
	v5 =	vadd.f32 v18, v5;
	v6 =	vadd.f32 v16, v6;
	v11 =	vmul.f32 v14, v11  }
0xfc: {  	s8 =	sadd.s32 $0x1, s8;
	v4 =	vadd.f32 v13, v4;
	v59 =	vmul.f32 v15, v10;
	v3 =	vadd.f32 v12, v3  }
0xfd: {  	p0 =	sne.s32 s8, $0x4;
	v60 =	vmul.f32 v19, v10;
	v2 =	vadd.f32 v11, v2;
	v11 =	vmul.f32 v20, v10  }
.Ltmp2:
0xfe: {  	v61 =	vmul.f32 v21, v10;
	v62 =	vmul.f32 v23, v10;
	v9 =	vadd.f32 v59, v9;
	(pc) =	sbr.rel @p0 .LBB2_3-.Ltmp2, $4  }
0xff: {  	v63 =	vmul.f32 v57, v10;
	v8 =	vadd.f32 v60, v8;
	v7 =	vadd.f32 v11, v7  }
0x100: {  	v11 =	vmul.f32 v22, v10;
	v5 =	vadd.f32 v61, v5;
	v10 =	vmul.f32 v58, v10  }
0x101: {  	v4 =	vadd.f32 v62, v4;
	v3 =	vadd.f32 v63, v3  }
0x102: {  	s7 =	sadd.s32 $0x800, s7;
	v6 =	vadd.f32 v11, v6;
	v2 =	vadd.f32 v10, v2  }
0x103: {  	s6 =	simm.s32 $0x3  }
0x104: {  	_ =	swait.ge [sflag:s6], $0x1C80  }
0x105: {  	[sflag:s6] =	ssyncset.done $0x0  }
0x106: {  	s7 =	simm.s32 $0x4310;
	[sflag:s6] =	ssyncadd.s32 $0xFFFFE380;
	s6 =	simm.s32 $0x4  }
.LBB2_7:
0x107: {  	_ =	sdelay $0x2  }
0x108: {  	s8 =	sshll.u32 s6, $0x4  }
0x109: {  	v10 =	vld.idx.msk [tilespmem:v1+s8+$0x0 ss:$0x1], $0xffff;
	_ =	sdelay $0x2  }
0x10a: {  	v12 =	vld [tilespmem:s7+$0x0]  }
0x10b: {  	v14 =	vld [tilespmem:s7+$0xFFFFFF90]  }
0x10c: {  	s31 =	simm.s32 $0x0;
	v15 =	vld [tilespmem:s7+$0xFFFFFFA0];
	v10 =	vmax.f32 v10, $1.000000050e-03  }
0x10d: {  	v18 =	vld [tilespmem:s7+$0xFFFFFFB0];
	v11 =	vmov s31;
	v10 =	vmin.f32 v10, $9.990000120e-01  }
0x10e: {  	v16 =	vld [tilespmem:s7+$0xFFFFFFC0];
	v11 =	vperm.xlane v10, v11  }
0x10f: {  	v13 =	vld [tilespmem:s7+$0xFFFFFFD0]  }
0x110: {  	v19 =	vmul.f32 v12, v11;
	v20 =	vmul.f32 v14, v11;
	v12 =	vld [tilespmem:s7+$0xFFFFFFE0]  }
0x111: {  	s8 =	sadd.s32 $0x80, s7;
	v17 =	vmul.f32 v15, v11;
	v14 =	vld [tilespmem:s7+$0xFFFFFFF0]  }
0x112: {  	s9 =	simm.s32 $0x1;
	s10 =	simm.s32 $0x2;
	v15 =	vld [tilespmem:s8+$0x0];
	v18 =	vmul.f32 v18, v11;
	v9 =	vadd.f32 v19, v9;
	v8 =	vadd.f32 v20, v8  }
.LBB2_8:
0x113: {  	p0 =	sne.s32 s10, $0xF;
	v19 =	vld [tilespmem:s8+$0xFFFFFF90];
	v7 =	vadd.f32 v17, v7;
	v16 =	vmul.f32 v16, v11  }
0x114: {  	v17 =	vmov s9;
	s9 =	smov.u32 s10;
	v20 =	vld [tilespmem:s8+$0xFFFFFFA0];
	v5 =	vadd.f32 v18, v5;
	v13 =	vmul.f32 v13, v11  }
0x115: {  	v17 =	vperm.xlane v10, v17;
	v18 =	vld [tilespmem:s8+$0xFFFFFFB0];
	v6 =	vadd.f32 v16, v6;
	v12 =	vmul.f32 v12, v11  }
.Ltmp3:
0x116: {  	v16 =	vld [tilespmem:s8+$0xFFFFFFC0];
	v4 =	vadd.f32 v13, v4;
	v14 =	vmul.f32 v14, v11;
	(pc) =	sbr.rel @p0 .LBB2_8-.Ltmp3, $4  }
0x117: {  	v11 =	vmov v17;
	v13 =	vld [tilespmem:s8+$0xFFFFFFD0];
	v15 =	vmul.f32 v15, v17;
	v3 =	vadd.f32 v12, v3  }
0x118: {  	v19 =	vmul.f32 v19, v11;
	v12 =	vld [tilespmem:s8+$0xFFFFFFE0];
	v2 =	vadd.f32 v14, v2  }
0x119: {  	v17 =	vmul.f32 v20, v11;
	v14 =	vld [tilespmem:s8+$0xFFFFFFF0];
	v9 =	vadd.f32 v15, v9;
	s8 =	sadd.s32 $0x80, s8  }
0x11a: {  	s10 =	sadd.s32 $0x1, s10;
	v15 =	vld [tilespmem:s8+$0x0];
	v8 =	vadd.f32 v19, v8;
	v18 =	vmul.f32 v18, v11  }
0x11b: {  	v19 =	vld [tilespmem:s8+$0xFFFFFF90]  }
0x11c: {  	v20 =	vld [tilespmem:s8+$0xFFFFFFA0]  }
0x11d: {  	v21 =	vld [tilespmem:s8+$0xFFFFFFB0]  }
0x11e: {  	v22 =	vld [tilespmem:s8+$0xFFFFFFC0]  }
0x11f: {  	v16 =	vmul.f32 v16, v11;
	v56 =	vmov s9;
	v23 =	vld [tilespmem:s8+$0xFFFFFFD0];
	v13 =	vmul.f32 v13, v11  }
0x120: {  	v7 =	vadd.f32 v17, v7;
	v57 =	vld [tilespmem:s8+$0xFFFFFFE0];
	v10 =	vperm.xlane v10, v56;
	v12 =	vmul.f32 v12, v11  }
0x121: {  	v58 =	vld [tilespmem:s8+$0xFFFFFFF0];
	v5 =	vadd.f32 v18, v5;
	v6 =	vadd.f32 v16, v6;
	v11 =	vmul.f32 v14, v11  }
0x122: {  	s6 =	sadd.s32 $0x1, s6;
	v4 =	vadd.f32 v13, v4;
	v59 =	vmul.f32 v15, v10;
	v3 =	vadd.f32 v12, v3  }
0x123: {  	p0 =	sne.s32 s6, $0x8;
	v60 =	vmul.f32 v19, v10;
	v2 =	vadd.f32 v11, v2;
	v11 =	vmul.f32 v20, v10  }
.Ltmp4:
0x124: {  	v61 =	vmul.f32 v21, v10;
	v62 =	vmul.f32 v23, v10;
	v9 =	vadd.f32 v59, v9;
	(pc) =	sbr.rel @p0 .LBB2_7-.Ltmp4, $4  }
0x125: {  	v63 =	vmul.f32 v57, v10;
	v8 =	vadd.f32 v60, v8;
	v7 =	vadd.f32 v11, v7  }
0x126: {  	v11 =	vmul.f32 v22, v10;
	v5 =	vadd.f32 v61, v5;
	v10 =	vmul.f32 v58, v10  }
0x127: {  	v4 =	vadd.f32 v62, v4;
	v3 =	vadd.f32 v63, v3  }
0x128: {  	s7 =	sadd.s32 $0x800, s7;
	v6 =	vadd.f32 v11, v6;
	v2 =	vadd.f32 v10, v2  }
0x129: {  	(v2sf) =	vpush v0, $0x1;
	_ =	sdelay $0x5  }
0x12a: {  	[tilespmem:$0x7520] =	vst v8  }
0x12b: {  	[tilespmem:$0x7530] =	vst v7  }
0x12c: {  	[tilespmem:$0x7540] =	vst v5  }
0x12d: {  	[tilespmem:$0x7560] =	vst v4  }
0x12e: {  	[tilespmem:$0x7570] =	vst v3  }
0x12f: {  	[tilespmem:$0x7590] =	vst v9  }
0x130: {  	s6 =	sshll.u32 s3, $0x7;
	[tilespmem:$0x7550] =	vst v6  }
0x131: {  	s8 =	simm.s32 $0x7520;
	[tilespmem:$0x7580] =	vst v2;
	s7 =	sadd.s32 s6, s4  }
0x132: {  	[spmem:s7] =	stream.linear.scatter [tilespmem:s8], [sflag:$0x5], $0x80, $0x38;
	[tilespmem:$0x7EB0] =	vst v63  }
0x133: {  	s24 =	simm.s32 $0x5;
	s7 =	spop (v2sf)  }
0x134: {  	_ =	swait.ge [sflag:s24], $0x80  }
0x135: {  	[sflag:s24] =	ssyncset.done $0x0  }
0x136: {  	s9 =	sand.u32 $0x600, s6;
	[sflag:s24] =	ssyncadd.s32 $0xFFFFFF80  }
0x137: {  	s26 =	simm.s32 $0x7320;
	s25 =	sadd.s32 s9, s4;
	[bflag:$0x0] =	sbarrier.arrive $0xFFFF  }
0x138: {  	[tilespmem:s26], [sflag:$0x5] =	stream.linear.gather [spmem:s25], $0x200, $0x38;
	[tilespmem:$0x7EB0] =	vst v63  }
0x139: {  	_ =	swait.ge [sflag:s24], $0x200  }
0x13a: {  	[sflag:s24] =	ssyncset.done $0x0  }
0x13b: {  	s28 =	sshrl.u32 s5, $0x2;
	[sflag:s24] =	ssyncadd.s32 $0xFFFFFE00  }
0x13c: {  	v0 =	vld [tilespmem:s28+$0x7320]  }
0x13d: {  	v1 =	vld [tilespmem:s28+$0x73A0]  }
0x13e: {  	v2 =	vld [tilespmem:s28+$0x7420]  }
0x13f: {  	v3 =	vld [tilespmem:s28+$0x74A0]  }
0x140: {  	v4 =	vld [tilespmem:s28+$0x7330]  }
0x141: {  	v5 =	vld [tilespmem:s28+$0x73B0]  }
0x142: {  	s29 =	simm.s32 $0x4;
	v6 =	vld [tilespmem:s28+$0x7430]  }
0x143: {  	v7 =	vld [tilespmem:s28+$0x74B0];
	_ =	swait.ge [sflag:s29], $0x1080  }
0x144: {  	[sflag:s29] =	ssyncset.done $0x0  }
0x145: {  	[sflag:s29] =	ssyncadd.s32 $0xFFFFEF80  }
0x146: {  	v8 =	vld [tilespmem:$0x62A0]  }
0x147: {  	v9 =	vld [tilespmem:$0x62B0]  }
0x148: {  	v10 =	vld [tilespmem:$0x62D0];
	v0 =	vadd.f32 v1, v0  }
0x149: {  	v11 =	vld [tilespmem:$0x62F0];
	v1 =	vadd.f32 v5, v4  }
0x14a: {  	s30 =	simm.s32 $0x6390;
	v12 =	vld [tilespmem:$0x6310];
	v0 =	vadd.f32 v2, v0  }
0x14b: {  	v13 =	vld [tilespmem:s30+$0x0];
	v1 =	vadd.f32 v6, v1  }
0x14c: {  	p0 =	seq.s32 s3, $0x0;
	v14 =	vld [tilespmem:s30+$0xFFFFFFA0];
	v0 =	vadd.f32 v3, v0  }
0x14d: {  	s31 =	simm.s32 $0x0;
	s7 =	simm.s32 @!p0 $0x0;
	v5 =	vld [tilespmem:$0x62C0];
	v1 =	vadd.f32 v7, v1  }
0x14e: {  	s5 =	sand.u32 $0xF, s31;
	v2 =	vld [tilespmem:$0x62E0];
	v17 =	vmul.f32 s7, v8;
	v0 =	vmax.f32 v0, $-6.906754970e+00  }
0x14f: {  	v4 =	vmul.f32 s7, v9;
	v1 =	vmax.f32 v1, $-6.906754970e+00;
	v6 =	vmin.f32 v0, $6.906754970e+00;
	v0 =	vld [tilespmem:s30+$0xFFFFFF90]  }
0x150: {  	v9 =	vmul.f32 s7, v10;
	v3 =	vld [tilespmem:$0x6300];
	v7 =	vmin.f32 v1, $6.906754970e+00;
	v1 =	vmov s5  }
0x151: {  	v18 =	vld [tilespmem:s30+$0xFFFFFFB0];
	v8 =	vperm.xlane v6, v1;
	v16 =	vperm.xlane v7, v1  }
0x152: {  	p6 =	por $0x1, $0x1;
	v15 =	vld [tilespmem:s30+$0xFFFFFFC0];
	v10 =	vmul.f32 s7, v12;
	v5 =	vmul.f32 s7, v5  }
0x153: {  	v2 =	vmul.f32 s7, v2;
	v1 =	vmul.f32 s7, v11;
	v11 =	vld [tilespmem:s30+$0xFFFFFFD0];
	v8 =	vpsel p6, v8, v16  }
0x154: {  	v12 =	vmul.f32 v13, v8;
	v13 =	vld [tilespmem:s30+$0xFFFFFFE0];
	v19 =	vmul.f32 v0, v8  }
0x155: {  	s4 =	simm.s32 $0x6410;
	s5 =	simm.s32 $0x1;
	v3 =	vmul.f32 s7, v3;
	v16 =	vmul.f32 v14, v8;
	v14 =	vld [tilespmem:s30+$0xFFFFFFF0]  }
0x156: {  	s8 =	sand.u32 $0xF, s5;
	s7 =	simm.s32 $0x2;
	v0 =	vadd.f32 v12, v10;
	v10 =	vld [tilespmem:s4+$0x0];
	v12 =	vadd.f32 v19, v17;
	v17 =	vmul.f32 v18, v8  }
.LBB2_11:
0x157: {  	p0 =	sne.s32 s7, $0x1F;
	v18 =	vmov s8;
	v19 =	vld [tilespmem:s4+$0xFFFFFF90];
	v4 =	vadd.f32 v16, v4;
	v15 =	vmul.f32 v15, v8  }
0x158: {  	v16 =	vperm.xlane v6, v18;
	v18 =	vperm.xlane v7, v18;
	v20 =	vld [tilespmem:s4+$0xFFFFFFA0];
	v5 =	vadd.f32 v17, v5  }
0x159: {  	p1 =	slt.u32 s5, $0x10;
	s5 =	smov.u32 s7;
	v21 =	vmul.f32 v11, v8;
	v17 =	vld [tilespmem:s4+$0xFFFFFFB0];
	v9 =	vadd.f32 v15, v9;
	v13 =	vmul.f32 v13, v8  }
.Ltmp5:
0x15a: {  	v15 =	vld [tilespmem:s4+$0xFFFFFFC0];
	v14 =	vmul.f32 v14, v8;
	v8 =	vpsel p1, v16, v18;
	(pc) =	sbr.rel @p0 .LBB2_11-.Ltmp5, $4  }
0x15b: {  	v2 =	vadd.f32 v21, v2;
	v11 =	vld [tilespmem:s4+$0xFFFFFFD0];
	v10 =	vmul.f32 v10, v8;
	v1 =	vadd.f32 v13, v1  }
0x15c: {  	v18 =	vmul.f32 v19, v8;
	v13 =	vld [tilespmem:s4+$0xFFFFFFE0];
	v3 =	vadd.f32 v14, v3  }
0x15d: {  	v16 =	vmul.f32 v20, v8;
	v14 =	vld [tilespmem:s4+$0xFFFFFFF0];
	v0 =	vadd.f32 v10, v0;
	s4 =	sadd.s32 $0x80, s4  }
0x15e: {  	s7 =	sadd.s32 $0x1, s7;
	s8 =	sand.u32 $0xF, s5;
	v10 =	vld [tilespmem:s4+$0x0];
	v12 =	vadd.f32 v18, v12;
	v17 =	vmul.f32 v17, v8  }
0x15f: {  	v18 =	vld [tilespmem:s4+$0xFFFFFF90];
	v19 =	vmov s8  }
0x160: {  	v20 =	vld [tilespmem:s4+$0xFFFFFFA0];
	v6 =	vperm.xlane v6, v19;
	v7 =	vperm.xlane v7, v19  }
0x161: {  	v52 =	vld [tilespmem:s4+$0xFFFFFFB0];
	p0 =	slt.u32 s5, $0x10  }
0x162: {  	v21 =	vld [tilespmem:s4+$0xFFFFFFC0];
	v6 =	vpsel p0, v6, v7  }
0x163: {  	v15 =	vmul.f32 v15, v8;
	v53 =	vld [tilespmem:s4+$0xFFFFFFD0];
	v4 =	vadd.f32 v16, v4;
	v63 =	vmul.f32 v10, v6  }
0x164: {  	v55 =	vld [tilespmem:s4+$0xFFFFFFE0];
	v5 =	vadd.f32 v17, v5;
	v11 =	vmul.f32 v11, v8;
	v54 =	vmul.f32 v18, v6  }
0x165: {  	v57 =	vld [tilespmem:s4+$0xFFFFFFF0];
	v9 =	vadd.f32 v15, v9;
	v56 =	vmul.f32 v20, v6;
	v0 =	vadd.f32 v63, v0  }
0x166: {  	v13 =	vmul.f32 v13, v8;
	v58 =	vmul.f32 v52, v6;
	v12 =	vadd.f32 v54, v12  }
0x167: {  	v59 =	vmul.f32 v14, v8;
	v60 =	vmul.f32 v21, v6;
	v4 =	vadd.f32 v56, v4;
	[tilespmem:$0x7590] =	vst v0  }
0x168: {  	v2 =	vadd.f32 v11, v2;
	v7 =	vmul.f32 v53, v6;
	v5 =	vadd.f32 v58, v5;
	[tilespmem:$0x7520] =	vst v12  }
0x169: {  	v1 =	vadd.f32 v13, v1;
	v61 =	vmul.f32 v55, v6;
	v9 =	vadd.f32 v60, v9;
	[tilespmem:$0x7530] =	vst v4  }
0x16a: {  	v3 =	vadd.f32 v59, v3;
	v62 =	vmul.f32 v57, v6;
	v2 =	vadd.f32 v7, v2;
	[tilespmem:$0x7540] =	vst v5  }
0x16b: {  	v1 =	vadd.f32 v61, v1;
	[tilespmem:$0x7550] =	vst v9  }
0x16c: {  	v3 =	vadd.f32 v62, v3;
	[tilespmem:$0x7560] =	vst v2  }
0x16d: {  	[tilespmem:$0x7570] =	vst v1  }
0x16e: {  	s29 =	sadd.s32 s6, s2;
	s30 =	simm.s32 $0x7520;
	s31 =	simm.s32 $0x5;
	[tilespmem:$0x7580] =	vst v3  }
0x16f: {  	[spmem:s29] =	stream.linear.scatter [tilespmem:s30], [sflag:$0x5], $0x80, $0x38;
	[tilespmem:$0x7EB0] =	vst v63  }
0x170: {  	_ =	swait.ge [sflag:s31], $0x80  }
0x171: {  	[sflag:s31] =	ssyncset.done $0x0  }
0x172: {  	p0 =	sgt.u32 s3, $0x7;
	[sflag:s31] =	ssyncadd.s32 $0xFFFFFF80  }
0x173: {  	s4 =	simm.s32 @!p0 $0x75A0;
	[bflag:$0x0] =	sbarrier.arrive $0xFFFF  }
0x174: {  	[tilespmem:s4], [sflag:$0x5] =	stream.linear.gather @!p0 [spmem:s2], $0x800, $0x38;
	[tilespmem:$0x7EB0] =	vst v63  }
0x175: {  	s2 =	simm.s32 @!p0 $0x5  }
0x176: {  	_ =	swait.ge @!p0 [sflag:s2], $0x800  }
0x177: {  	[sflag:s2] =	ssyncset.done @!p0 $0x0  }
0x178: {  	s4 =	sshll.u32 @!p0 s3, $0x4;
	[sflag:s2] =	ssyncadd.s32 @!p0 $0xFFFFF800  }
0x179: {  	v0 =	vld @!p0 [tilespmem:s4+$0x75A0]  }
0x17a: {  	v1 =	vld @!p0 [tilespmem:s4+$0x7620];
	_ =	sdelay $0x1  }
0x17b: {  	v2 =	vld @!p0 [tilespmem:s4+$0x76A0];
	_ =	sdelay $0x1  }
0x17c: {  	v3 =	vld @!p0 [tilespmem:s4+$0x7720]  }
0x17d: {  	v0 =	vadd.f32 @!p0 v1, v0  }
0x17e: {  	v1 =	vld @!p0 [tilespmem:s4+$0x77A0]  }
0x17f: {  	v0 =	vadd.f32 @!p0 v2, v0  }
0x180: {  	v2 =	vld @!p0 [tilespmem:s4+$0x7820]  }
0x181: {  	v0 =	vadd.f32 @!p0 v3, v0  }
0x182: {  	v3 =	vld @!p0 [tilespmem:s4+$0x78A0]  }
0x183: {  	v0 =	vadd.f32 @!p0 v1, v0  }
0x184: {  	v1 =	vld @!p0 [tilespmem:s4+$0x7920]  }
0x185: {  	v0 =	vadd.f32 @!p0 v2, v0  }
0x186: {  	v2 =	vld @!p0 [tilespmem:s4+$0x79A0]  }
0x187: {  	v0 =	vadd.f32 @!p0 v3, v0  }
0x188: {  	v3 =	vld @!p0 [tilespmem:s4+$0x7A20]  }
0x189: {  	v0 =	vadd.f32 @!p0 v1, v0  }
0x18a: {  	v1 =	vld @!p0 [tilespmem:s4+$0x7AA0]  }
0x18b: {  	v0 =	vadd.f32 @!p0 v2, v0  }
0x18c: {  	v2 =	vld @!p0 [tilespmem:s4+$0x7B20]  }
0x18d: {  	v0 =	vadd.f32 @!p0 v3, v0  }
0x18e: {  	v3 =	vld @!p0 [tilespmem:s4+$0x7BA0]  }
0x18f: {  	v0 =	vadd.f32 @!p0 v1, v0  }
0x190: {  	v1 =	vld @!p0 [tilespmem:s4+$0x7C20]  }
0x191: {  	v0 =	vadd.f32 @!p0 v2, v0  }
0x192: {  	v2 =	vld @!p0 [tilespmem:s4+$0x7CA0]  }
0x193: {  	v0 =	vadd.f32 @!p0 v3, v0  }
0x194: {  	v3 =	vld @!p0 [tilespmem:s4+$0x7D20]  }
0x195: {  	v0 =	vadd.f32 @!p0 v1, v0;
	_ =	sdelay $0x1  }
0x196: {  	v0 =	vadd.f32 @!p0 v2, v0;
	_ =	sdelay $0x1  }
0x197: {  	v0 =	vadd.f32 @!p0 v3, v0;
	_ =	sdelay $0x1  }
0x198: {  	v0 =	vsub.f32 @!p0 $0.0e+00, v0;
	_ =	sdelay $0x1  }
0x199: {  	v0 =	vmul.f32 @!p0 $1.442695020e+00, v0;
	_ =	sdelay $0x1  }
0x19a: {  	(erf) = vpow2.f32 @!p0 v0;
	_ =	sdelay $0x8  }
0x19b: {  	v0 =	vpop @!p0 (erf)  }
0x19c: {  	v0 =	vadd.f32 @!p0 $1.000000000e+00, v0;
	_ =	sdelay $0x1  }
0x19d: {  	(erf) = vrcp.f32 @!p0 v0;
	_ =	sdelay $0x8  }
0x19e: {  	v0 =	vpop @!p0 (erf)  }
0x19f: {  	v0 =	vmax.f32 @!p0 v0, $1.000000050e-03  }
0x1a0: {  	s4 =	sshll.u32 @!p0 s3, $0x1;
	v0 =	vmin.f32 @!p0 v0, $9.990000120e-01  }
0x1a1: {  	s5 =	simm.s32 @!p0 $0x7DA0;
	s1 =	sadd.s32 @!p0 s1, s4;
	s4 =	simm.s32 @!p0 $0x0;
	[tilespmem:$0x7DA0] =	vst @!p0 v0  }
0x1a2: {  	[hbm4b:s1+s4] =	stream.linear.scatter @!p0 [tilespmem:s5], [sflag:$0x5], $0x10, $0x38;
	[tilespmem:$0x7EB0] =	vst v63  }
0x1a3: {  	_ =	swait.ge @!p0 [sflag:s2], $0x10  }
0x1a4: {  	[sflag:s2] =	ssyncset.done @!p0 $0x0  }
0x1a5: {  	[sflag:s2] =	ssyncadd.s32 @!p0 $0xFFFFFFF0  }
0x1a6: {  	_ =	sfence.sel $0x180000  }
0x1a7: {  	[bflag:$0x0] =	sbarrier.arrive $0xFFFF  }
0x1a8: {  	p0 =	sne.s32 s3, $0x0;
	_ =	strace $0x90000047  }
0x1a9: {  	s0 =	sadd.s32 @!p0 $0x100000, s0;
	[bflag:$0x2] =	sbarrier.arrive $0xFFFF  }
0x1aa: {  	[sflag:s0] =	ssyncadd.tile.s32 @!p0 $0x1;
	_ =	shalt  }
.Lfunc_end2:
_tile_overlayer_lowered:
.L_overlay_start_2:
0x1ab: {  	(tag) =	ssettag $0x2  }
0x1ac: {  	s0 =	rddreg [dreg:$0x0];
	s2 =	stileid.u32  }
0x1ad: {  	s1 =	rddreg [dreg:$0x1];
	p0 =	sne.s32 s2, $0x0  }
0x1ae: {  	s3 =	rddreg [dreg:$0x2];
	[bflag:$0x3] =	sbarrier.arrive $0xFFFF;
	s2 =	simm.s32 @!p0 $0x1C05  }
0x1af: {  	[timem:s3], [sflag:s2] =	dma.local @!p0 [hbm:s0], s1  }
0x1b0: {  	s0 =	simm.s32 @!p0 $0x5  }
0x1b1: {  	_ =	swait.ge @!p0 [sflag:s0], s1  }
0x1b2: {  	s1 =	ssub.s32 @!p0 $0x0, s1;
	[sflag:s0] =	ssyncset.done @!p0 $0x0  }
0x1b3: {  	[sflag:s0] =	ssyncadd.s32 @!p0 s1  }
0x1b4: {  	[bflag:$0x3] =	sbarrier.arrive $0xFFFF  }
0x1b5: {  	_ =	shalt  }

</sc_bundles>
